<compile_context>
chip_gen: v7x
topology: tpu7x:2x2x1
jax: 0.10.2.dev20260603
libtpu: 0.0.44.dev20260713+nightly
codegen_flags: <defaults>
</compile_context>

<pallas_src>
import functools

import jax
import jax.numpy as jnp
from jax import lax
from jax.experimental import pallas as pl
from jax.experimental.pallas import tpu as pltpu
from jax.experimental.pallas import tpu_sc as plsc

_NC, _NS, _L = 2, 16, 16
_NW = _NC * _NS
_N = 32768
_S = 16
_CHUNK = _N // _NW
_GROUPS = _CHUNK // _L
_HALF = _CHUNK // 2
_UNROLL = 1

_ENERGY_SCALE = 1.0
_FORCE_SCALE = 0.1


def _sc_kernel(x_hbm, y_hbm, z_hbm, w_hbm, b_hbm, cell_hbm,
               fx_hbm, fy_hbm, fz_hbm, epart_hbm, stress_hbm,
               x_v, y_v, z_v, w_v, b_v, fx_v, fy_v, fz_v,
               acc2_v, acc_v, cell_v, st_v, sem, sem2):
    cid = lax.axis_index("c")
    sid = lax.axis_index("s")
    wid = cid * _NS + sid
    base = wid * _CHUNK
    sl = pl.ds(base, _CHUNK)

    ins = ((x_hbm, x_v), (y_hbm, y_v), (z_hbm, z_v),
           (w_hbm, w_v), (b_hbm, b_v))
    h1 = pl.ds(base, _HALF)
    h2 = pl.ds(base + _HALF, _HALF)
    cps1 = [pltpu.async_copy(src.at[h1], dst.at[pl.ds(0, _HALF)], sem)
            for src, dst in ins]
    cps2 = [pltpu.async_copy(src.at[h2], dst.at[pl.ds(_HALF, _HALF)], sem2)
            for src, dst in ins]

    is_t0 = (sid == 0) & (cid == 0)

    @pl.when(is_t0)
    def _():
        pltpu.sync_copy(cell_hbm, cell_v)

    zero = jnp.zeros((_L,), jnp.float32)
    for i in range(_L):
        acc2_v[i, :] = zero

    lane = lax.iota(jnp.int32, _L)

    @pl.when(is_t0)
    def _():
        k = lane
        r = (k * 21846) >> 16
        c = k - r * 3
        cv = plsc.load_gather(cell_v, [r, c], mask=k < 9)
        a, b_, cc = cv[0], cv[1], cv[2]
        d, e_, f = cv[3], cv[4], cv[5]
        g, h, i_ = cv[6], cv[7], cv[8]
        det = (a * (e_ * i_ - f * h) - b_ * (d * i_ - f * g)
               + cc * (d * h - e_ * g))
        den = jnp.zeros((_L,), jnp.float32) + (jnp.abs(det) + 1.0)
        rec = plsc.bitcast(
            jnp.int32(0x7EF311C3) - plsc.bitcast(den, jnp.int32),
            jnp.float32)
        rec = rec * (2.0 - den * rec)
        rec = rec * (2.0 - den * rec)
        rec = rec * (2.0 - den * rec)
        st_v[...] = 0.01 * rec
        pltpu.sync_copy(st_v, stress_hbm)

    for cp in cps1:
        cp.wait()

    @plsc.parallel_loop(0, _GROUPS // 2, 1, unroll=4)
    def _group(j):
        g = pl.ds(j * _L, _L)
        xx = x_v[g]
        yy = y_v[g]
        zz = z_v[g]
        w = w_v[g].astype(jnp.float32)
        b = b_v[g]
        nw = w * (-_FORCE_SCALE)
        fx_v[g] = xx * nw
        fy_v[g] = yy * nw
        fz_v[g] = zz * nw
        n2 = xx * xx + yy * yy + zz * zz
        yr = plsc.bitcast(
            jnp.int32(0x5F3759DF) - (plsc.bitcast(n2, jnp.int32) >> 1),
            jnp.float32)
        yr = yr * (1.5 - 0.5 * n2 * yr * yr)
        yr = yr * (1.5 - 0.5 * n2 * yr * yr)
        e = n2 * yr * (w * _ENERGY_SCALE)
        plsc.addupdate_scatter(acc2_v, [lane, b], e)

    for cp in cps2:
        cp.wait()
    ocp1 = [pltpu.async_copy(src.at[pl.ds(0, _HALF)], dst.at[h1], sem)
            for src, dst in ((fx_v, fx_hbm), (fy_v, fy_hbm), (fz_v, fz_hbm))]

    @plsc.parallel_loop(_GROUPS // 2, _GROUPS, 1, unroll=4)
    def _group2(j):
        g = pl.ds(j * _L, _L)
        xx = x_v[g]
        yy = y_v[g]
        zz = z_v[g]
        w = w_v[g].astype(jnp.float32)
        b = b_v[g]
        nw = w * (-_FORCE_SCALE)
        fx_v[g] = xx * nw
        fy_v[g] = yy * nw
        fz_v[g] = zz * nw
        n2 = xx * xx + yy * yy + zz * zz
        yr = plsc.bitcast(
            jnp.int32(0x5F3759DF) - (plsc.bitcast(n2, jnp.int32) >> 1),
            jnp.float32)
        yr = yr * (1.5 - 0.5 * n2 * yr * yr)
        yr = yr * (1.5 - 0.5 * n2 * yr * yr)
        e = n2 * yr * (w * _ENERGY_SCALE)
        plsc.addupdate_scatter(acc2_v, [lane, b], e)

    acc = acc2_v[0, :]
    for i in range(1, _L):
        acc = acc + acc2_v[i, :]
    acc_v[...] = acc
    ocp2 = [pltpu.async_copy(src.at[pl.ds(_HALF, _HALF)], dst.at[h2], sem2)
            for src, dst in ((fx_v, fx_hbm), (fy_v, fy_hbm), (fz_v, fz_hbm))]
    ocp2.append(pltpu.async_copy(acc_v, epart_hbm.at[wid], sem2))
    for cp in ocp1:
        cp.wait()
    for cp in ocp2:
        cp.wait()


@functools.lru_cache(maxsize=1)
def _build_sc_call():
    return pl.kernel(
        _sc_kernel,
        out_type=(
            jax.ShapeDtypeStruct((_N,), jnp.float32),
            jax.ShapeDtypeStruct((_N,), jnp.float32),
            jax.ShapeDtypeStruct((_N,), jnp.float32),
            jax.ShapeDtypeStruct((_NW, _S), jnp.float32),
            jax.ShapeDtypeStruct((_L,), jnp.float32),
        ),
        mesh=plsc.VectorSubcoreMesh(
            core_axis_name="c", subcore_axis_name="s",
            num_cores=_NC, num_subcores=_NS),
        scratch_types=(
            pltpu.VMEM((_CHUNK,), jnp.float32),
            pltpu.VMEM((_CHUNK,), jnp.float32),
            pltpu.VMEM((_CHUNK,), jnp.float32),
            pltpu.VMEM((_CHUNK,), jnp.int32),
            pltpu.VMEM((_CHUNK,), jnp.int32),
            pltpu.VMEM((_CHUNK,), jnp.float32),
            pltpu.VMEM((_CHUNK,), jnp.float32),
            pltpu.VMEM((_CHUNK,), jnp.float32),
            pltpu.VMEM((_L, _S), jnp.float32),
            pltpu.VMEM((_L,), jnp.float32),
            pltpu.VMEM((3, 3), jnp.float32),
            pltpu.VMEM((_L,), jnp.float32),
            pltpu.SemaphoreType.DMA,
            pltpu.SemaphoreType.DMA,
        ),
        compiler_params=pltpu.CompilerParams(needs_layout_passes=False),
    )


def kernel(positions, atomic_numbers, batch, cell):
    x = positions[:, 0]
    y = positions[:, 1]
    z = positions[:, 2]
    fx, fy, fz, epart, stress16 = _build_sc_call()(
        x, y, z, atomic_numbers.astype(jnp.int32), batch, cell)
    energies = epart.sum(axis=0)
    forces = jnp.stack([fx, fy, fz], axis=1)
    stress = stress16[:6]
    return (energies, forces, stress)

# --- scband reference (transcript-rebuilt; emitter-appended) ---
"""Pipeline reference for scband-mock-student-model-39762807226842 (READ-ONLY COPY).

The authoritative reference and input builder live on the scoring server;
editing this copy changes nothing except your own understanding.
"""

import jax, jax.numpy as jnp
import numpy as np

N_ATOMS = 32768
N_STRUCTURES = 16
ENERGY_SCALE = 1.0
FORCE_SCALE = 0.1


def setup_inputs(seed: int = 0) -> dict:
    key = jax.random.key(seed)
    k1, k2, k3, k4 = jax.random.split(key, 4)
    positions = jax.random.normal(k1, (N_ATOMS, 3), dtype=jnp.float32)
    atomic_numbers = jax.random.randint(k2, (N_ATOMS,), 0, 100, dtype=jnp.int64 if jax.config.jax_enable_x64 else jnp.int32)
    batch = jnp.sort(jax.random.randint(k3, (N_ATOMS,), 0, N_STRUCTURES, dtype=jnp.int32))
    cell = jax.random.normal(k4, (3, 3), dtype=jnp.float32)
    return {"positions": positions, "atomic_numbers": atomic_numbers, "batch": batch, "cell": cell}


def reference(positions, atomic_numbers, batch, cell):
    # distances = ||positions||_2 per atom
    distances = jnp.linalg.norm(positions, axis=1)
    atomic_weights = atomic_numbers.astype(jnp.float32)
    energy_per_atom = distances * atomic_weights * ENERGY_SCALE
    # segment reduce: per-structure energy sum (replaces the python loop over masks)
    energies = jax.ops.segment_sum(energy_per_atom, batch, num_segments=N_STRUCTURES)
    forces = -positions * FORCE_SCALE
    forces = forces * atomic_weights[:, None]
    # predict_stress=True and cell provided -> volume-based stress
    volume = jnp.abs(jnp.linalg.det(cell))
    stress_value = 0.01 / (volume + 1.0)
    stress = jnp.ones(6, dtype=jnp.float32) * stress_value
    return (energies, forces, stress)

if __name__ == "__main__":
    import jax
    _d = setup_inputs()
    print(jax.jit(kernel)(*tuple(_d.values())))

</pallas_src>

<mosaic_0001>
#map = affine_map<(d0, d1) -> (0)>
#map1 = affine_map<(d0, d1) -> (0, 0)>
module attributes {stable_mosaic.version = 14 : i64} {
  func.func @_sc_kernel(%arg0: i32, %arg1: i32, %arg2: memref<32768xf32, #tpu.memory_space<hbm>>, %arg3: memref<32768xf32, #tpu.memory_space<hbm>>, %arg4: memref<32768xf32, #tpu.memory_space<hbm>>, %arg5: memref<32768xi32, #tpu.memory_space<hbm>>, %arg6: memref<32768xi32, #tpu.memory_space<hbm>>, %arg7: memref<3x3xf32, #tpu.memory_space<hbm>>, %arg8: memref<32768xf32, #tpu.memory_space<hbm>>, %arg9: memref<32768xf32, #tpu.memory_space<hbm>>, %arg10: memref<32768xf32, #tpu.memory_space<hbm>>, %arg11: memref<32x16xf32, #tpu.memory_space<hbm>>, %arg12: memref<16xf32, #tpu.memory_space<hbm>>, %arg13: memref<1024xf32, #tpu.memory_space<vmem>>, %arg14: memref<1024xf32, #tpu.memory_space<vmem>>, %arg15: memref<1024xf32, #tpu.memory_space<vmem>>, %arg16: memref<1024xi32, #tpu.memory_space<vmem>>, %arg17: memref<1024xi32, #tpu.memory_space<vmem>>, %arg18: memref<1024xf32, #tpu.memory_space<vmem>>, %arg19: memref<1024xf32, #tpu.memory_space<vmem>>, %arg20: memref<1024xf32, #tpu.memory_space<vmem>>, %arg21: memref<16x16xf32, #tpu.memory_space<vmem>>, %arg22: memref<16xf32, #tpu.memory_space<vmem>>, %arg23: memref<3x3xf32, #tpu.memory_space<vmem>>, %arg24: memref<16xf32, #tpu.memory_space<vmem>>, %arg25: memref<!tpu.dma_semaphore, #tpu.memory_space<semaphore_mem>>, %arg26: memref<!tpu.dma_semaphore, #tpu.memory_space<semaphore_mem>>) attributes {dimension_semantics = [#tpu.dimension_semantics<core_parallel>, #tpu.dimension_semantics<subcore_parallel>], iteration_bounds = array<i64: 2, 16>, scalar_prefetch = 0 : i64, scratch_operands = 14 : i64, tpu.core_type = #tpu.core_type<sc_vector_subcore>, window_params = [{transform_indices = #map}, {transform_indices = #map}, {transform_indices = #map}, {transform_indices = #map}, {transform_indices = #map}, {transform_indices = #map1}, {transform_indices = #map}, {transform_indices = #map}, {transform_indices = #map}, {transform_indices = #map1}, {transform_indices = #map}]} {
    %mul3A = arith.constant 16 : i32
    %mul3A_0 = arith.muli %arg0, %mul3A : i32
    %add3A = arith.addi %mul3A_0, %arg1 : i32
    %mul3A_1 = arith.constant 1024 : i32
    %mul3A_2 = arith.muli %add3A, %mul3A_1 : i32
    %add3A_3 = arith.constant 512 : i32
    %add3A_4 = arith.addi %mul3A_2, %add3A_3 : i32
    %dma_start3A = arith.constant 0 : i32
    %dma_start3A_5 = tpu.memref_slice %arg13[%dma_start3A] : memref<1024xf32, #tpu.memory_space<vmem>> -> memref<512xf32, #tpu.memory_space<vmem>>
    %dma_start3A_6 = tpu.memref_slice %arg2[%mul3A_2] : memref<32768xf32, #tpu.memory_space<hbm>> -> memref<512xf32, #tpu.memory_space<hbm>>
    %dma_start3A_7 = arith.constant 0 : i32
    %dma_start3A_8 = tpu.memref_slice %arg13[%dma_start3A_7] : memref<1024xf32, #tpu.memory_space<vmem>> -> memref<512xf32, #tpu.memory_space<vmem>>
    %dma_start3A_9 = tpu.memref_slice %arg2[%mul3A_2] : memref<32768xf32, #tpu.memory_space<hbm>> -> memref<512xf32, #tpu.memory_space<hbm>>
    tpu.enqueue_dma source(%dma_start3A_9 : memref<512xf32, #tpu.memory_space<hbm>>) target(%dma_start3A_8 : memref<512xf32, #tpu.memory_space<vmem>>) target_semaphore(%arg25 : memref<!tpu.dma_semaphore, #tpu.memory_space<semaphore_mem>>)
    %dma_start3A_10 = arith.constant 0 : i32
    %dma_start3A_11 = tpu.memref_slice %arg14[%dma_start3A_10] : memref<1024xf32, #tpu.memory_space<vmem>> -> memref<512xf32, #tpu.memory_space<vmem>>
    %dma_start3A_12 = tpu.memref_slice %arg3[%mul3A_2] : memref<32768xf32, #tpu.memory_space<hbm>> -> memref<512xf32, #tpu.memory_space<hbm>>
    %dma_start3A_13 = arith.constant 0 : i32
    %dma_start3A_14 = tpu.memref_slice %arg14[%dma_start3A_13] : memref<1024xf32, #tpu.memory_space<vmem>> -> memref<512xf32, #tpu.memory_space<vmem>>
    %dma_start3A_15 = tpu.memref_slice %arg3[%mul3A_2] : memref<32768xf32, #tpu.memory_space<hbm>> -> memref<512xf32, #tpu.memory_space<hbm>>
    tpu.enqueue_dma source(%dma_start3A_15 : memref<512xf32, #tpu.memory_space<hbm>>) target(%dma_start3A_14 : memref<512xf32, #tpu.memory_space<vmem>>) target_semaphore(%arg25 : memref<!tpu.dma_semaphore, #tpu.memory_space<semaphore_mem>>)
    %dma_start3A_16 = arith.constant 0 : i32
    %dma_start3A_17 = tpu.memref_slice %arg15[%dma_start3A_16] : memref<1024xf32, #tpu.memory_space<vmem>> -> memref<512xf32, #tpu.memory_space<vmem>>
    %dma_start3A_18 = tpu.memref_slice %arg4[%mul3A_2] : memref<32768xf32, #tpu.memory_space<hbm>> -> memref<512xf32, #tpu.memory_space<hbm>>
    %dma_start3A_19 = arith.constant 0 : i32
    %dma_start3A_20 = tpu.memref_slice %arg15[%dma_start3A_19] : memref<1024xf32, #tpu.memory_space<vmem>> -> memref<512xf32, #tpu.memory_space<vmem>>
    %dma_start3A_21 = tpu.memref_slice %arg4[%mul3A_2] : memref<32768xf32, #tpu.memory_space<hbm>> -> memref<512xf32, #tpu.memory_space<hbm>>
    tpu.enqueue_dma source(%dma_start3A_21 : memref<512xf32, #tpu.memory_space<hbm>>) target(%dma_start3A_20 : memref<512xf32, #tpu.memory_space<vmem>>) target_semaphore(%arg25 : memref<!tpu.dma_semaphore, #tpu.memory_space<semaphore_mem>>)
    %dma_start3A_22 = arith.constant 0 : i32
    %dma_start3A_23 = tpu.memref_slice %arg16[%dma_start3A_22] : memref<1024xi32, #tpu.memory_space<vmem>> -> memref<512xi32, #tpu.memory_space<vmem>>
    %dma_start3A_24 = tpu.memref_slice %arg5[%mul3A_2] : memref<32768xi32, #tpu.memory_space<hbm>> -> memref<512xi32, #tpu.memory_space<hbm>>
    %dma_start3A_25 = arith.constant 0 : i32
    %dma_start3A_26 = tpu.memref_slice %arg16[%dma_start3A_25] : memref<1024xi32, #tpu.memory_space<vmem>> -> memref<512xi32, #tpu.memory_space<vmem>>
    %dma_start3A_27 = tpu.memref_slice %arg5[%mul3A_2] : memref<32768xi32, #tpu.memory_space<hbm>> -> memref<512xi32, #tpu.memory_space<hbm>>
    tpu.enqueue_dma source(%dma_start3A_27 : memref<512xi32, #tpu.memory_space<hbm>>) target(%dma_start3A_26 : memref<512xi32, #tpu.memory_space<vmem>>) target_semaphore(%arg25 : memref<!tpu.dma_semaphore, #tpu.memory_space<semaphore_mem>>)
    %dma_start3A_28 = arith.constant 0 : i32
    %dma_start3A_29 = tpu.memref_slice %arg17[%dma_start3A_28] : memref<1024xi32, #tpu.memory_space<vmem>> -> memref<512xi32, #tpu.memory_space<vmem>>
    %dma_start3A_30 = tpu.memref_slice %arg6[%mul3A_2] : memref<32768xi32, #tpu.memory_space<hbm>> -> memref<512xi32, #tpu.memory_space<hbm>>
    %dma_start3A_31 = arith.constant 0 : i32
    %dma_start3A_32 = tpu.memref_slice %arg17[%dma_start3A_31] : memref<1024xi32, #tpu.memory_space<vmem>> -> memref<512xi32, #tpu.memory_space<vmem>>
    %dma_start3A_33 = tpu.memref_slice %arg6[%mul3A_2] : memref<32768xi32, #tpu.memory_space<hbm>> -> memref<512xi32, #tpu.memory_space<hbm>>
    tpu.enqueue_dma source(%dma_start3A_33 : memref<512xi32, #tpu.memory_space<hbm>>) target(%dma_start3A_32 : memref<512xi32, #tpu.memory_space<vmem>>) target_semaphore(%arg25 : memref<!tpu.dma_semaphore, #tpu.memory_space<semaphore_mem>>)
    %dma_start3A_34 = arith.constant 512 : i32
    %dma_start3A_35 = tpu.memref_slice %arg13[%dma_start3A_34] : memref<1024xf32, #tpu.memory_space<vmem>> -> memref<512xf32, #tpu.memory_space<vmem>>
    %dma_start3A_36 = tpu.memref_slice %arg2[%add3A_4] : memref<32768xf32, #tpu.memory_space<hbm>> -> memref<512xf32, #tpu.memory_space<hbm>>
    %dma_start3A_37 = arith.constant 512 : i32
    %dma_start3A_38 = tpu.memref_slice %arg13[%dma_start3A_37] : memref<1024xf32, #tpu.memory_space<vmem>> -> memref<512xf32, #tpu.memory_space<vmem>>
    %dma_start3A_39 = tpu.memref_slice %arg2[%add3A_4] : memref<32768xf32, #tpu.memory_space<hbm>> -> memref<512xf32, #tpu.memory_space<hbm>>
    tpu.enqueue_dma source(%dma_start3A_39 : memref<512xf32, #tpu.memory_space<hbm>>) target(%dma_start3A_38 : memref<512xf32, #tpu.memory_space<vmem>>) target_semaphore(%arg26 : memref<!tpu.dma_semaphore, #tpu.memory_space<semaphore_mem>>)
    %dma_start3A_40 = arith.constant 512 : i32
    %dma_start3A_41 = tpu.memref_slice %arg14[%dma_start3A_40] : memref<1024xf32, #tpu.memory_space<vmem>> -> memref<512xf32, #tpu.memory_space<vmem>>
    %dma_start3A_42 = tpu.memref_slice %arg3[%add3A_4] : memref<32768xf32, #tpu.memory_space<hbm>> -> memref<512xf32, #tpu.memory_space<hbm>>
    %dma_start3A_43 = arith.constant 512 : i32
    %dma_start3A_44 = tpu.memref_slice %arg14[%dma_start3A_43] : memref<1024xf32, #tpu.memory_space<vmem>> -> memref<512xf32, #tpu.memory_space<vmem>>
    %dma_start3A_45 = tpu.memref_slice %arg3[%add3A_4] : memref<32768xf32, #tpu.memory_space<hbm>> -> memref<512xf32, #tpu.memory_space<hbm>>
    tpu.enqueue_dma source(%dma_start3A_45 : memref<512xf32, #tpu.memory_space<hbm>>) target(%dma_start3A_44 : memref<512xf32, #tpu.memory_space<vmem>>) target_semaphore(%arg26 : memref<!tpu.dma_semaphore, #tpu.memory_space<semaphore_mem>>)
    %dma_start3A_46 = arith.constant 512 : i32
    %dma_start3A_47 = tpu.memref_slice %arg15[%dma_start3A_46] : memref<1024xf32, #tpu.memory_space<vmem>> -> memref<512xf32, #tpu.memory_space<vmem>>
    %dma_start3A_48 = tpu.memref_slice %arg4[%add3A_4] : memref<32768xf32, #tpu.memory_space<hbm>> -> memref<512xf32, #tpu.memory_space<hbm>>
    %dma_start3A_49 = arith.constant 512 : i32
    %dma_start3A_50 = tpu.memref_slice %arg15[%dma_start3A_49] : memref<1024xf32, #tpu.memory_space<vmem>> -> memref<512xf32, #tpu.memory_space<vmem>>
    %dma_start3A_51 = tpu.memref_slice %arg4[%add3A_4] : memref<32768xf32, #tpu.memory_space<hbm>> -> memref<512xf32, #tpu.memory_space<hbm>>
    tpu.enqueue_dma source(%dma_start3A_51 : memref<512xf32, #tpu.memory_space<hbm>>) target(%dma_start3A_50 : memref<512xf32, #tpu.memory_space<vmem>>) target_semaphore(%arg26 : memref<!tpu.dma_semaphore, #tpu.memory_space<semaphore_mem>>)
    %dma_start3A_52 = arith.constant 512 : i32
    %dma_start3A_53 = tpu.memref_slice %arg16[%dma_start3A_52] : memref<1024xi32, #tpu.memory_space<vmem>> -> memref<512xi32, #tpu.memory_space<vmem>>
    %dma_start3A_54 = tpu.memref_slice %arg5[%add3A_4] : memref<32768xi32, #tpu.memory_space<hbm>> -> memref<512xi32, #tpu.memory_space<hbm>>
    %dma_start3A_55 = arith.constant 512 : i32
    %dma_start3A_56 = tpu.memref_slice %arg16[%dma_start3A_55] : memref<1024xi32, #tpu.memory_space<vmem>> -> memref<512xi32, #tpu.memory_space<vmem>>
    %dma_start3A_57 = tpu.memref_slice %arg5[%add3A_4] : memref<32768xi32, #tpu.memory_space<hbm>> -> memref<512xi32, #tpu.memory_space<hbm>>
    tpu.enqueue_dma source(%dma_start3A_57 : memref<512xi32, #tpu.memory_space<hbm>>) target(%dma_start3A_56 : memref<512xi32, #tpu.memory_space<vmem>>) target_semaphore(%arg26 : memref<!tpu.dma_semaphore, #tpu.memory_space<semaphore_mem>>)
    %dma_start3A_58 = arith.constant 512 : i32
    %dma_start3A_59 = tpu.memref_slice %arg17[%dma_start3A_58] : memref<1024xi32, #tpu.memory_space<vmem>> -> memref<512xi32, #tpu.memory_space<vmem>>
    %dma_start3A_60 = tpu.memref_slice %arg6[%add3A_4] : memref<32768xi32, #tpu.memory_space<hbm>> -> memref<512xi32, #tpu.memory_space<hbm>>
    %dma_start3A_61 = arith.constant 512 : i32
    %dma_start3A_62 = tpu.memref_slice %arg17[%dma_start3A_61] : memref<1024xi32, #tpu.memory_space<vmem>> -> memref<512xi32, #tpu.memory_space<vmem>>
    %dma_start3A_63 = tpu.memref_slice %arg6[%add3A_4] : memref<32768xi32, #tpu.memory_space<hbm>> -> memref<512xi32, #tpu.memory_space<hbm>>
    tpu.enqueue_dma source(%dma_start3A_63 : memref<512xi32, #tpu.memory_space<hbm>>) target(%dma_start3A_62 : memref<512xi32, #tpu.memory_space<vmem>>) target_semaphore(%arg26 : memref<!tpu.dma_semaphore, #tpu.memory_space<semaphore_mem>>)
    %eq3A = arith.constant 0 : i32
    %eq3A_64 = arith.cmpi eq, %arg1, %eq3A : i32
    %eq3A_65 = arith.constant 0 : i32
    %eq3A_66 = arith.cmpi eq, %arg0, %eq3A_65 : i32
    %and3A = arith.andi %eq3A_64, %eq3A_66 : i1
    %convert_element_type3A = arith.extui %and3A : i1 to i32
    %cond3A = arith.constant 0 : i32
    %cond3A_67 = arith.cmpi ne, %convert_element_type3A, %cond3A : i32
    scf.if %cond3A_67 {
      "tpu.region"() ({
        %run_scoped3A = tpu.sem_alloc : memref<!tpu.dma_semaphore, #tpu.memory_space<semaphore_mem>>
        tpu.enqueue_dma source(%arg7 : memref<3x3xf32, #tpu.memory_space<hbm>>) target(%arg23 : memref<3x3xf32, #tpu.memory_space<vmem>>) target_semaphore(%run_scoped3A : memref<!tpu.dma_semaphore, #tpu.memory_space<semaphore_mem>>)
        tpu.wait_dma2 semaphore(%run_scoped3A : memref<!tpu.dma_semaphore, #tpu.memory_space<semaphore_mem>>) src(%arg7 : memref<3x3xf32, #tpu.memory_space<hbm>>) dst(%arg23 : memref<3x3xf32, #tpu.memory_space<vmem>>)
        tpu.yield
      }) : () -> ()
    } else {
    }
    %broadcast_in_dim3A = arith.constant 0.000000e+00 : f32
    %broadcast_in_dim3A_68 = vector.broadcast %broadcast_in_dim3A : f32 to vector<16xf32>
    %swap3A = arith.constant 0 : i32
    %swap3A_69 = arith.index_cast %swap3A : i32 to index
    %swap3A_70 = arith.constant 0 : index
    %swap3A_71 = tpu.vector_load %arg21[%swap3A_69, %swap3A_70] {strides = array<i32>} : memref<16x16xf32, #tpu.memory_space<vmem>>, vector<16xf32>,
    tpu.vector_store %arg21[%swap3A_69, %swap3A_70], %broadcast_in_dim3A_68 {strides = array<i32>} : memref<16x16xf32, #tpu.memory_space<vmem>>, vector<16xf32>,
    %swap3A_72 = arith.constant 1 : i32
    %swap3A_73 = arith.index_cast %swap3A_72 : i32 to index
    %swap3A_74 = arith.constant 0 : index
    %swap3A_75 = tpu.vector_load %arg21[%swap3A_73, %swap3A_74] {strides = array<i32>} : memref<16x16xf32, #tpu.memory_space<vmem>>, vector<16xf32>,
    tpu.vector_store %arg21[%swap3A_73, %swap3A_74], %broadcast_in_dim3A_68 {strides = array<i32>} : memref<16x16xf32, #tpu.memory_space<vmem>>, vector<16xf32>,
    %swap3A_76 = arith.constant 2 : i32
    %swap3A_77 = arith.index_cast %swap3A_76 : i32 to index
    %swap3A_78 = arith.constant 0 : index
    %swap3A_79 = tpu.vector_load %arg21[%swap3A_77, %swap3A_78] {strides = array<i32>} : memref<16x16xf32, #tpu.memory_space<vmem>>, vector<16xf32>,
    tpu.vector_store %arg21[%swap3A_77, %swap3A_78], %broadcast_in_dim3A_68 {strides = array<i32>} : memref<16x16xf32, #tpu.memory_space<vmem>>, vector<16xf32>,
    %swap3A_80 = arith.constant 3 : i32
    %swap3A_81 = arith.index_cast %swap3A_80 : i32 to index
    %swap3A_82 = arith.constant 0 : index
    %swap3A_83 = tpu.vector_load %arg21[%swap3A_81, %swap3A_82] {strides = array<i32>} : memref<16x16xf32, #tpu.memory_space<vmem>>, vector<16xf32>,
    tpu.vector_store %arg21[%swap3A_81, %swap3A_82], %broadcast_in_dim3A_68 {strides = array<i32>} : memref<16x16xf32, #tpu.memory_space<vmem>>, vector<16xf32>,
    %swap3A_84 = arith.constant 4 : i32
    %swap3A_85 = arith.index_cast %swap3A_84 : i32 to index
    %swap3A_86 = arith.constant 0 : index
    %swap3A_87 = tpu.vector_load %arg21[%swap3A_85, %swap3A_86] {strides = array<i32>} : memref<16x16xf32, #tpu.memory_space<vmem>>, vector<16xf32>,
    tpu.vector_store %arg21[%swap3A_85, %swap3A_86], %broadcast_in_dim3A_68 {strides = array<i32>} : memref<16x16xf32, #tpu.memory_space<vmem>>, vector<16xf32>,
    %swap3A_88 = arith.constant 5 : i32
    %swap3A_89 = arith.index_cast %swap3A_88 : i32 to index
    %swap3A_90 = arith.constant 0 : index
    %swap3A_91 = tpu.vector_load %arg21[%swap3A_89, %swap3A_90] {strides = array<i32>} : memref<16x16xf32, #tpu.memory_space<vmem>>, vector<16xf32>,
    tpu.vector_store %arg21[%swap3A_89, %swap3A_90], %broadcast_in_dim3A_68 {strides = array<i32>} : memref<16x16xf32, #tpu.memory_space<vmem>>, vector<16xf32>,
    %swap3A_92 = arith.constant 6 : i32
    %swap3A_93 = arith.index_cast %swap3A_92 : i32 to index
    %swap3A_94 = arith.constant 0 : index
    %swap3A_95 = tpu.vector_load %arg21[%swap3A_93, %swap3A_94] {strides = array<i32>} : memref<16x16xf32, #tpu.memory_space<vmem>>, vector<16xf32>,
    tpu.vector_store %arg21[%swap3A_93, %swap3A_94], %broadcast_in_dim3A_68 {strides = array<i32>} : memref<16x16xf32, #tpu.memory_space<vmem>>, vector<16xf32>,
    %swap3A_96 = arith.constant 7 : i32
    %swap3A_97 = arith.index_cast %swap3A_96 : i32 to index
    %swap3A_98 = arith.constant 0 : index
    %swap3A_99 = tpu.vector_load %arg21[%swap3A_97, %swap3A_98] {strides = array<i32>} : memref<16x16xf32, #tpu.memory_space<vmem>>, vector<16xf32>,
    tpu.vector_store %arg21[%swap3A_97, %swap3A_98], %broadcast_in_dim3A_68 {strides = array<i32>} : memref<16x16xf32, #tpu.memory_space<vmem>>, vector<16xf32>,
    %swap3A_100 = arith.constant 8 : i32
    %swap3A_101 = arith.index_cast %swap3A_100 : i32 to index
    %swap3A_102 = arith.constant 0 : index
    %swap3A_103 = tpu.vector_load %arg21[%swap3A_101, %swap3A_102] {strides = array<i32>} : memref<16x16xf32, #tpu.memory_space<vmem>>, vector<16xf32>,
    tpu.vector_store %arg21[%swap3A_101, %swap3A_102], %broadcast_in_dim3A_68 {strides = array<i32>} : memref<16x16xf32, #tpu.memory_space<vmem>>, vector<16xf32>,
    %swap3A_104 = arith.constant 9 : i32
    %swap3A_105 = arith.index_cast %swap3A_104 : i32 to index
    %swap3A_106 = arith.constant 0 : index
    %swap3A_107 = tpu.vector_load %arg21[%swap3A_105, %swap3A_106] {strides = array<i32>} : memref<16x16xf32, #tpu.memory_space<vmem>>, vector<16xf32>,
    tpu.vector_store %arg21[%swap3A_105, %swap3A_106], %broadcast_in_dim3A_68 {strides = array<i32>} : memref<16x16xf32, #tpu.memory_space<vmem>>, vector<16xf32>,
    %swap3A_108 = arith.constant 10 : i32
    %swap3A_109 = arith.index_cast %swap3A_108 : i32 to index
    %swap3A_110 = arith.constant 0 : index
    %swap3A_111 = tpu.vector_load %arg21[%swap3A_109, %swap3A_110] {strides = array<i32>} : memref<16x16xf32, #tpu.memory_space<vmem>>, vector<16xf32>,
    tpu.vector_store %arg21[%swap3A_109, %swap3A_110], %broadcast_in_dim3A_68 {strides = array<i32>} : memref<16x16xf32, #tpu.memory_space<vmem>>, vector<16xf32>,
    %swap3A_112 = arith.constant 11 : i32
    %swap3A_113 = arith.index_cast %swap3A_112 : i32 to index
    %swap3A_114 = arith.constant 0 : index
    %swap3A_115 = tpu.vector_load %arg21[%swap3A_113, %swap3A_114] {strides = array<i32>} : memref<16x16xf32, #tpu.memory_space<vmem>>, vector<16xf32>,
    tpu.vector_store %arg21[%swap3A_113, %swap3A_114], %broadcast_in_dim3A_68 {strides = array<i32>} : memref<16x16xf32, #tpu.memory_space<vmem>>, vector<16xf32>,
    %swap3A_116 = arith.constant 12 : i32
    %swap3A_117 = arith.index_cast %swap3A_116 : i32 to index
    %swap3A_118 = arith.constant 0 : index
    %swap3A_119 = tpu.vector_load %arg21[%swap3A_117, %swap3A_118] {strides = array<i32>} : memref<16x16xf32, #tpu.memory_space<vmem>>, vector<16xf32>,
    tpu.vector_store %arg21[%swap3A_117, %swap3A_118], %broadcast_in_dim3A_68 {strides = array<i32>} : memref<16x16xf32, #tpu.memory_space<vmem>>, vector<16xf32>,
    %swap3A_120 = arith.constant 13 : i32
    %swap3A_121 = arith.index_cast %swap3A_120 : i32 to index
    %swap3A_122 = arith.constant 0 : index
    %swap3A_123 = tpu.vector_load %arg21[%swap3A_121, %swap3A_122] {strides = array<i32>} : memref<16x16xf32, #tpu.memory_space<vmem>>, vector<16xf32>,
    tpu.vector_store %arg21[%swap3A_121, %swap3A_122], %broadcast_in_dim3A_68 {strides = array<i32>} : memref<16x16xf32, #tpu.memory_space<vmem>>, vector<16xf32>,
    %swap3A_124 = arith.constant 14 : i32
    %swap3A_125 = arith.index_cast %swap3A_124 : i32 to index
    %swap3A_126 = arith.constant 0 : index
    %swap3A_127 = tpu.vector_load %arg21[%swap3A_125, %swap3A_126] {strides = array<i32>} : memref<16x16xf32, #tpu.memory_space<vmem>>, vector<16xf32>,
    tpu.vector_store %arg21[%swap3A_125, %swap3A_126], %broadcast_in_dim3A_68 {strides = array<i32>} : memref<16x16xf32, #tpu.memory_space<vmem>>, vector<16xf32>,
    %swap3A_128 = arith.constant 15 : i32
    %swap3A_129 = arith.index_cast %swap3A_128 : i32 to index
    %swap3A_130 = arith.constant 0 : index
    %swap3A_131 = tpu.vector_load %arg21[%swap3A_129, %swap3A_130] {strides = array<i32>} : memref<16x16xf32, #tpu.memory_space<vmem>>, vector<16xf32>,
    tpu.vector_store %arg21[%swap3A_129, %swap3A_130], %broadcast_in_dim3A_68 {strides = array<i32>} : memref<16x16xf32, #tpu.memory_space<vmem>>, vector<16xf32>,
    %iota3A = tpu.iota {dimensions = array<i32: 0>} : vector<16xi32>
    %convert_element_type3A_132 = arith.extui %and3A : i1 to i32
    %cond3A_133 = arith.constant 0 : i32
    %cond3A_134 = arith.cmpi ne, %convert_element_type3A_132, %cond3A_133 : i32
    scf.if %cond3A_134 {
      %mul3A_363 = arith.constant 21846 : i32
      %mul3A_364 = vector.broadcast %mul3A_363 : i32 to vector<16xi32>
      %mul3A_365 = arith.muli %iota3A, %mul3A_364 : vector<16xi32>
      %shift_right_arithmetic3A = arith.constant 16 : i32
      %shift_right_arithmetic3A_366 = vector.broadcast %shift_right_arithmetic3A : i32 to vector<16xi32>
      %shift_right_arithmetic3A_367 = arith.shrsi %mul3A_365, %shift_right_arithmetic3A_366 : vector<16xi32>
      %mul3A_368 = arith.constant 3 : i32
      %mul3A_369 = vector.broadcast %mul3A_368 : i32 to vector<16xi32>
      %mul3A_370 = arith.muli %shift_right_arithmetic3A_367, %mul3A_369 : vector<16xi32>
      %sub3A = arith.subi %iota3A, %mul3A_370 : vector<16xi32>
      %lt3A = arith.constant 9 : i32
      %lt3A_371 = vector.broadcast %lt3A : i32 to vector<16xi32>
      %lt3A_372 = arith.cmpi slt, %iota3A, %lt3A_371 : vector<16xi32>
      %gather3A = tpu.vector_load_idx %arg23[%shift_right_arithmetic3A_367, %sub3A] masked %lt3A_372 : memref<3x3xf32, #tpu.memory_space<vmem>>[vector<16xi32>, vector<16xi32>], vector<16xf32>, vector<16xi1>
      %slice3A = vector.extract_strided_slice %gather3A {offsets = [0], sizes = [1], strides = [1]} : vector<16xf32> to vector<1xf32>
      %squeeze3A = vector.extract %slice3A[0] : f32 from vector<1xf32>
      %slice3A_373 = vector.extract_strided_slice %gather3A {offsets = [1], sizes = [1], strides = [1]} : vector<16xf32> to vector<1xf32>
      %squeeze3A_374 = vector.extract %slice3A_373[0] : f32 from vector<1xf32>
      %slice3A_375 = vector.extract_strided_slice %gather3A {offsets = [2], sizes = [1], strides = [1]} : vector<16xf32> to vector<1xf32>
      %squeeze3A_376 = vector.extract %slice3A_375[0] : f32 from vector<1xf32>
      %slice3A_377 = vector.extract_strided_slice %gather3A {offsets = [3], sizes = [1], strides = [1]} : vector<16xf32> to vector<1xf32>
      %squeeze3A_378 = vector.extract %slice3A_377[0] : f32 from vector<1xf32>
      %slice3A_379 = vector.extract_strided_slice %gather3A {offsets = [4], sizes = [1], strides = [1]} : vector<16xf32> to vector<1xf32>
      %squeeze3A_380 = vector.extract %slice3A_379[0] : f32 from vector<1xf32>
      %slice3A_381 = vector.extract_strided_slice %gather3A {offsets = [5], sizes = [1], strides = [1]} : vector<16xf32> to vector<1xf32>
      %squeeze3A_382 = vector.extract %slice3A_381[0] : f32 from vector<1xf32>
      %slice3A_383 = vector.extract_strided_slice %gather3A {offsets = [6], sizes = [1], strides = [1]} : vector<16xf32> to vector<1xf32>
      %squeeze3A_384 = vector.extract %slice3A_383[0] : f32 from vector<1xf32>
      %slice3A_385 = vector.extract_strided_slice %gather3A {offsets = [7], sizes = [1], strides = [1]} : vector<16xf32> to vector<1xf32>
      %squeeze3A_386 = vector.extract %slice3A_385[0] : f32 from vector<1xf32>
      %slice3A_387 = vector.extract_strided_slice %gather3A {offsets = [8], sizes = [1], strides = [1]} : vector<16xf32> to vector<1xf32>
      %squeeze3A_388 = vector.extract %slice3A_387[0] : f32 from vector<1xf32>
      %mul3A_389 = arith.mulf %squeeze3A_380, %squeeze3A_388 : f32
      %mul3A_390 = arith.mulf %squeeze3A_382, %squeeze3A_386 : f32
      %sub3A_391 = arith.subf %mul3A_389, %mul3A_390 : f32
      %mul3A_392 = arith.mulf %squeeze3A, %sub3A_391 : f32
      %mul3A_393 = arith.mulf %squeeze3A_378, %squeeze3A_388 : f32
      %mul3A_394 = arith.mulf %squeeze3A_382, %squeeze3A_384 : f32
      %sub3A_395 = arith.subf %mul3A_393, %mul3A_394 : f32
      %mul3A_396 = arith.mulf %squeeze3A_374, %sub3A_395 : f32
      %sub3A_397 = arith.subf %mul3A_392, %mul3A_396 : f32
      %mul3A_398 = arith.mulf %squeeze3A_378, %squeeze3A_386 : f32
      %mul3A_399 = arith.mulf %squeeze3A_380, %squeeze3A_384 : f32
      %sub3A_400 = arith.subf %mul3A_398, %mul3A_399 : f32
      %mul3A_401 = arith.mulf %squeeze3A_376, %sub3A_400 : f32
      %add3A_402 = arith.addf %sub3A_397, %mul3A_401 : f32
      %broadcast_in_dim3A_403 = arith.constant 0.000000e+00 : f32
      %broadcast_in_dim3A_404 = vector.broadcast %broadcast_in_dim3A_403 : f32 to vector<16xf32>
      %abs3A = math.absf %add3A_402 : f32
      %add3A_405 = arith.constant 1.000000e+00 : f32
      %add3A_406 = arith.addf %abs3A, %add3A_405 : f32
      %add3A_407 = vector.broadcast %add3A_406 : f32 to vector<16xf32>
      %add3A_408 = arith.addf %broadcast_in_dim3A_404, %add3A_407 : vector<16xf32>
      %bitcast3A = vector.bitcast %add3A_408 : vector<16xf32> to vector<16xi32>
      %sub3A_409 = arith.constant 2129859011 : i32
      %sub3A_410 = vector.broadcast %sub3A_409 : i32 to vector<16xi32>
      %sub3A_411 = arith.subi %sub3A_410, %bitcast3A : vector<16xi32>
      %bitcast3A_412 = vector.bitcast %sub3A_411 : vector<16xi32> to vector<16xf32>
      %mul3A_413 = arith.mulf %add3A_408, %bitcast3A_412 : vector<16xf32>
      %sub3A_414 = arith.constant 2.000000e+00 : f32
      %sub3A_415 = vector.broadcast %sub3A_414 : f32 to vector<16xf32>
      %sub3A_416 = arith.subf %sub3A_415, %mul3A_413 : vector<16xf32>
      %mul3A_417 = arith.mulf %bitcast3A_412, %sub3A_416 : vector<16xf32>
      %mul3A_418 = arith.mulf %add3A_408, %mul3A_417 : vector<16xf32>
      %sub3A_419 = arith.constant 2.000000e+00 : f32
      %sub3A_420 = vector.broadcast %sub3A_419 : f32 to vector<16xf32>
      %sub3A_421 = arith.subf %sub3A_420, %mul3A_418 : vector<16xf32>
      %mul3A_422 = arith.mulf %mul3A_417, %sub3A_421 : vector<16xf32>
      %mul3A_423 = arith.mulf %add3A_408, %mul3A_422 : vector<16xf32>
      %sub3A_424 = arith.constant 2.000000e+00 : f32
      %sub3A_425 = vector.broadcast %sub3A_424 : f32 to vector<16xf32>
      %sub3A_426 = arith.subf %sub3A_425, %mul3A_423 : vector<16xf32>
      %mul3A_427 = arith.mulf %mul3A_422, %sub3A_426 : vector<16xf32>
      %mul3A_428 = arith.constant 0.00999999977 : f32
      %mul3A_429 = vector.broadcast %mul3A_428 : f32 to vector<16xf32>
      %mul3A_430 = arith.mulf %mul3A_429, %mul3A_427 : vector<16xf32>
      %swap3A_431 = arith.constant 0 : index
      %swap3A_432 = tpu.vector_load %arg24[%swap3A_431] {strides = array<i32>} : memref<16xf32, #tpu.memory_space<vmem>>, vector<16xf32>,
      tpu.vector_store %arg24[%swap3A_431], %mul3A_430 {strides = array<i32>} : memref<16xf32, #tpu.memory_space<vmem>>, vector<16xf32>,
      "tpu.region"() ({
        %run_scoped3A = tpu.sem_alloc : memref<!tpu.dma_semaphore, #tpu.memory_space<semaphore_mem>>
        tpu.enqueue_dma source(%arg24 : memref<16xf32, #tpu.memory_space<vmem>>) target(%arg12 : memref<16xf32, #tpu.memory_space<hbm>>) target_semaphore(%run_scoped3A : memref<!tpu.dma_semaphore, #tpu.memory_space<semaphore_mem>>)
        tpu.wait_dma2 semaphore(%run_scoped3A : memref<!tpu.dma_semaphore, #tpu.memory_space<semaphore_mem>>) src(%arg24 : memref<16xf32, #tpu.memory_space<vmem>>) dst(%arg12 : memref<16xf32, #tpu.memory_space<hbm>>)
        tpu.yield
      }) : () -> ()
    } else {
    }
    %dma_wait3A = arith.constant 0 : i32
    %dma_wait3A_135 = tpu.memref_slice %arg13[%dma_wait3A] : memref<1024xf32, #tpu.memory_space<vmem>> -> memref<512xf32, #tpu.memory_space<vmem>>
    %dma_wait3A_136 = tpu.memref_slice %arg2[%mul3A_2] : memref<32768xf32, #tpu.memory_space<hbm>> -> memref<512xf32, #tpu.memory_space<hbm>>
    %dma_wait3A_137 = arith.constant 0 : i32
    %dma_wait3A_138 = tpu.memref_slice %arg13[%dma_wait3A_137] : memref<1024xf32, #tpu.memory_space<vmem>> -> memref<512xf32, #tpu.memory_space<vmem>>
    %dma_wait3A_139 = tpu.memref_slice %arg2[%mul3A_2] : memref<32768xf32, #tpu.memory_space<hbm>> -> memref<512xf32, #tpu.memory_space<hbm>>
    tpu.wait_dma2 semaphore(%arg25 : memref<!tpu.dma_semaphore, #tpu.memory_space<semaphore_mem>>) src(%dma_wait3A_139 : memref<512xf32, #tpu.memory_space<hbm>>) dst(%dma_wait3A_138 : memref<512xf32, #tpu.memory_space<vmem>>)
    %dma_wait3A_140 = arith.constant 0 : i32
    %dma_wait3A_141 = tpu.memref_slice %arg14[%dma_wait3A_140] : memref<1024xf32, #tpu.memory_space<vmem>> -> memref<512xf32, #tpu.memory_space<vmem>>
    %dma_wait3A_142 = tpu.memref_slice %arg3[%mul3A_2] : memref<32768xf32, #tpu.memory_space<hbm>> -> memref<512xf32, #tpu.memory_space<hbm>>
    %dma_wait3A_143 = arith.constant 0 : i32
    %dma_wait3A_144 = tpu.memref_slice %arg14[%dma_wait3A_143] : memref<1024xf32, #tpu.memory_space<vmem>> -> memref<512xf32, #tpu.memory_space<vmem>>
    %dma_wait3A_145 = tpu.memref_slice %arg3[%mul3A_2] : memref<32768xf32, #tpu.memory_space<hbm>> -> memref<512xf32, #tpu.memory_space<hbm>>
    tpu.wait_dma2 semaphore(%arg25 : memref<!tpu.dma_semaphore, #tpu.memory_space<semaphore_mem>>) src(%dma_wait3A_145 : memref<512xf32, #tpu.memory_space<hbm>>) dst(%dma_wait3A_144 : memref<512xf32, #tpu.memory_space<vmem>>)
    %dma_wait3A_146 = arith.constant 0 : i32
    %dma_wait3A_147 = tpu.memref_slice %arg15[%dma_wait3A_146] : memref<1024xf32, #tpu.memory_space<vmem>> -> memref<512xf32, #tpu.memory_space<vmem>>
    %dma_wait3A_148 = tpu.memref_slice %arg4[%mul3A_2] : memref<32768xf32, #tpu.memory_space<hbm>> -> memref<512xf32, #tpu.memory_space<hbm>>
    %dma_wait3A_149 = arith.constant 0 : i32
    %dma_wait3A_150 = tpu.memref_slice %arg15[%dma_wait3A_149] : memref<1024xf32, #tpu.memory_space<vmem>> -> memref<512xf32, #tpu.memory_space<vmem>>
    %dma_wait3A_151 = tpu.memref_slice %arg4[%mul3A_2] : memref<32768xf32, #tpu.memory_space<hbm>> -> memref<512xf32, #tpu.memory_space<hbm>>
    tpu.wait_dma2 semaphore(%arg25 : memref<!tpu.dma_semaphore, #tpu.memory_space<semaphore_mem>>) src(%dma_wait3A_151 : memref<512xf32, #tpu.memory_space<hbm>>) dst(%dma_wait3A_150 : memref<512xf32, #tpu.memory_space<vmem>>)
    %dma_wait3A_152 = arith.constant 0 : i32
    %dma_wait3A_153 = tpu.memref_slice %arg16[%dma_wait3A_152] : memref<1024xi32, #tpu.memory_space<vmem>> -> memref<512xi32, #tpu.memory_space<vmem>>
    %dma_wait3A_154 = tpu.memref_slice %arg5[%mul3A_2] : memref<32768xi32, #tpu.memory_space<hbm>> -> memref<512xi32, #tpu.memory_space<hbm>>
    %dma_wait3A_155 = arith.constant 0 : i32
    %dma_wait3A_156 = tpu.memref_slice %arg16[%dma_wait3A_155] : memref<1024xi32, #tpu.memory_space<vmem>> -> memref<512xi32, #tpu.memory_space<vmem>>
    %dma_wait3A_157 = tpu.memref_slice %arg5[%mul3A_2] : memref<32768xi32, #tpu.memory_space<hbm>> -> memref<512xi32, #tpu.memory_space<hbm>>
    tpu.wait_dma2 semaphore(%arg25 : memref<!tpu.dma_semaphore, #tpu.memory_space<semaphore_mem>>) src(%dma_wait3A_157 : memref<512xi32, #tpu.memory_space<hbm>>) dst(%dma_wait3A_156 : memref<512xi32, #tpu.memory_space<vmem>>)
    %dma_wait3A_158 = arith.constant 0 : i32
    %dma_wait3A_159 = tpu.memref_slice %arg17[%dma_wait3A_158] : memref<1024xi32, #tpu.memory_space<vmem>> -> memref<512xi32, #tpu.memory_space<vmem>>
    %dma_wait3A_160 = tpu.memref_slice %arg6[%mul3A_2] : memref<32768xi32, #tpu.memory_space<hbm>> -> memref<512xi32, #tpu.memory_space<hbm>>
    %dma_wait3A_161 = arith.constant 0 : i32
    %dma_wait3A_162 = tpu.memref_slice %arg17[%dma_wait3A_161] : memref<1024xi32, #tpu.memory_space<vmem>> -> memref<512xi32, #tpu.memory_space<vmem>>
    %dma_wait3A_163 = tpu.memref_slice %arg6[%mul3A_2] : memref<32768xi32, #tpu.memory_space<hbm>> -> memref<512xi32, #tpu.memory_space<hbm>>
    tpu.wait_dma2 semaphore(%arg25 : memref<!tpu.dma_semaphore, #tpu.memory_space<semaphore_mem>>) src(%dma_wait3A_163 : memref<512xi32, #tpu.memory_space<hbm>>) dst(%dma_wait3A_162 : memref<512xi32, #tpu.memory_space<vmem>>)
    %parallel_loop3A = arith.constant 0 : i32
    %parallel_loop3A_164 = arith.constant 32 : i32
    %parallel_loop3A_165 = arith.constant 1 : i32
    scf.for %parallel_loop3A_363 = %parallel_loop3A to %parallel_loop3A_164 step %parallel_loop3A_165  : i32 {
      %parallel_loop3A_364 = arith.constant 16 : i32
      %parallel_loop3A_365 = arith.muli %parallel_loop3A_363, %parallel_loop3A_364 : i32
      %parallel_loop3A_366 = arith.index_cast %parallel_loop3A_365 : i32 to index
      %parallel_loop3A_367 = tpu.vector_load %arg13[%parallel_loop3A_366] {strides = array<i32>} : memref<1024xf32, #tpu.memory_space<vmem>>, vector<16xf32>,
      %parallel_loop3A_368 = arith.index_cast %parallel_loop3A_365 : i32 to index
      %parallel_loop3A_369 = tpu.vector_load %arg14[%parallel_loop3A_368] {strides = array<i32>} : memref<1024xf32, #tpu.memory_space<vmem>>, vector<16xf32>,
      %parallel_loop3A_370 = arith.index_cast %parallel_loop3A_365 : i32 to index
      %parallel_loop3A_371 = tpu.vector_load %arg15[%parallel_loop3A_370] {strides = array<i32>} : memref<1024xf32, #tpu.memory_space<vmem>>, vector<16xf32>,
      %parallel_loop3A_372 = arith.index_cast %parallel_loop3A_365 : i32 to index
      %parallel_loop3A_373 = tpu.vector_load %arg16[%parallel_loop3A_372] {strides = array<i32>} : memref<1024xi32, #tpu.memory_space<vmem>>, vector<16xi32>,
      %parallel_loop3A_374 = arith.sitofp %parallel_loop3A_373 : vector<16xi32> to vector<16xf32>
      %parallel_loop3A_375 = arith.index_cast %parallel_loop3A_365 : i32 to index
      %parallel_loop3A_376 = tpu.vector_load %arg17[%parallel_loop3A_375] {strides = array<i32>} : memref<1024xi32, #tpu.memory_space<vmem>>, vector<16xi32>,
      %parallel_loop3A_377 = arith.constant -1.000000e-01 : f32
      %parallel_loop3A_378 = vector.broadcast %parallel_loop3A_377 : f32 to vector<16xf32>
      %parallel_loop3A_379 = arith.mulf %parallel_loop3A_374, %parallel_loop3A_378 : vector<16xf32>
      %parallel_loop3A_380 = arith.mulf %parallel_loop3A_367, %parallel_loop3A_379 : vector<16xf32>
      %parallel_loop3A_381 = arith.index_cast %parallel_loop3A_365 : i32 to index
      %parallel_loop3A_382 = tpu.vector_load %arg18[%parallel_loop3A_381] {strides = array<i32>} : memref<1024xf32, #tpu.memory_space<vmem>>, vector<16xf32>,
      tpu.vector_store %arg18[%parallel_loop3A_381], %parallel_loop3A_380 {strides = array<i32>} : memref<1024xf32, #tpu.memory_space<vmem>>, vector<16xf32>,
      %parallel_loop3A_383 = arith.mulf %parallel_loop3A_369, %parallel_loop3A_379 : vector<16xf32>
      %parallel_loop3A_384 = arith.index_cast %parallel_loop3A_365 : i32 to index
      %parallel_loop3A_385 = tpu.vector_load %arg19[%parallel_loop3A_384] {strides = array<i32>} : memref<1024xf32, #tpu.memory_space<vmem>>, vector<16xf32>,
      tpu.vector_store %arg19[%parallel_loop3A_384], %parallel_loop3A_383 {strides = array<i32>} : memref<1024xf32, #tpu.memory_space<vmem>>, vector<16xf32>,
      %parallel_loop3A_386 = arith.mulf %parallel_loop3A_371, %parallel_loop3A_379 : vector<16xf32>
      %parallel_loop3A_387 = arith.index_cast %parallel_loop3A_365 : i32 to index
      %parallel_loop3A_388 = tpu.vector_load %arg20[%parallel_loop3A_387] {strides = array<i32>} : memref<1024xf32, #tpu.memory_space<vmem>>, vector<16xf32>,
      tpu.vector_store %arg20[%parallel_loop3A_387], %parallel_loop3A_386 {strides = array<i32>} : memref<1024xf32, #tpu.memory_space<vmem>>, vector<16xf32>,
      %parallel_loop3A_389 = arith.mulf %parallel_loop3A_367, %parallel_loop3A_367 : vector<16xf32>
      %parallel_loop3A_390 = arith.mulf %parallel_loop3A_369, %parallel_loop3A_369 : vector<16xf32>
      %parallel_loop3A_391 = arith.addf %parallel_loop3A_389, %parallel_loop3A_390 : vector<16xf32>
      %parallel_loop3A_392 = arith.mulf %parallel_loop3A_371, %parallel_loop3A_371 : vector<16xf32>
      %parallel_loop3A_393 = arith.addf %parallel_loop3A_391, %parallel_loop3A_392 : vector<16xf32>
      %parallel_loop3A_394 = vector.bitcast %parallel_loop3A_393 : vector<16xf32> to vector<16xi32>
      %parallel_loop3A_395 = arith.constant 1 : i32
      %parallel_loop3A_396 = vector.broadcast %parallel_loop3A_395 : i32 to vector<16xi32>
      %parallel_loop3A_397 = arith.shrsi %parallel_loop3A_394, %parallel_loop3A_396 : vector<16xi32>
      %parallel_loop3A_398 = arith.constant 1597463007 : i32
      %parallel_loop3A_399 = vector.broadcast %parallel_loop3A_398 : i32 to vector<16xi32>
      %parallel_loop3A_400 = arith.subi %parallel_loop3A_399, %parallel_loop3A_397 : vector<16xi32>
      %parallel_loop3A_401 = vector.bitcast %parallel_loop3A_400 : vector<16xi32> to vector<16xf32>
      %parallel_loop3A_402 = arith.constant 5.000000e-01 : f32
      %parallel_loop3A_403 = vector.broadcast %parallel_loop3A_402 : f32 to vector<16xf32>
      %parallel_loop3A_404 = arith.mulf %parallel_loop3A_403, %parallel_loop3A_393 : vector<16xf32>
      %parallel_loop3A_405 = arith.mulf %parallel_loop3A_404, %parallel_loop3A_401 : vector<16xf32>
      %parallel_loop3A_406 = arith.mulf %parallel_loop3A_405, %parallel_loop3A_401 : vector<16xf32>
      %parallel_loop3A_407 = arith.constant 1.500000e+00 : f32
      %parallel_loop3A_408 = vector.broadcast %parallel_loop3A_407 : f32 to vector<16xf32>
      %parallel_loop3A_409 = arith.subf %parallel_loop3A_408, %parallel_loop3A_406 : vector<16xf32>
      %parallel_loop3A_410 = arith.mulf %parallel_loop3A_401, %parallel_loop3A_409 : vector<16xf32>
      %parallel_loop3A_411 = arith.constant 5.000000e-01 : f32
      %parallel_loop3A_412 = vector.broadcast %parallel_loop3A_411 : f32 to vector<16xf32>
      %parallel_loop3A_413 = arith.mulf %parallel_loop3A_412, %parallel_loop3A_393 : vector<16xf32>
      %parallel_loop3A_414 = arith.mulf %parallel_loop3A_413, %parallel_loop3A_410 : vector<16xf32>
      %parallel_loop3A_415 = arith.mulf %parallel_loop3A_414, %parallel_loop3A_410 : vector<16xf32>
      %parallel_loop3A_416 = arith.constant 1.500000e+00 : f32
      %parallel_loop3A_417 = vector.broadcast %parallel_loop3A_416 : f32 to vector<16xf32>
      %parallel_loop3A_418 = arith.subf %parallel_loop3A_417, %parallel_loop3A_415 : vector<16xf32>
      %parallel_loop3A_419 = arith.mulf %parallel_loop3A_410, %parallel_loop3A_418 : vector<16xf32>
      %parallel_loop3A_420 = arith.mulf %parallel_loop3A_393, %parallel_loop3A_419 : vector<16xf32>
      %parallel_loop3A_421 = arith.constant 1.000000e+00 : f32
      %parallel_loop3A_422 = vector.broadcast %parallel_loop3A_421 : f32 to vector<16xf32>
      %parallel_loop3A_423 = arith.mulf %parallel_loop3A_374, %parallel_loop3A_422 : vector<16xf32>
      %parallel_loop3A_424 = arith.mulf %parallel_loop3A_420, %parallel_loop3A_423 : vector<16xf32>
      tpu.vector_store_idx %arg21[%iota3A, %parallel_loop3A_376], %parallel_loop3A_424 {add = true} : memref<16x16xf32, #tpu.memory_space<vmem>>[vector<16xi32>, vector<16xi32>], vector<16xf32>,
    } {sc.loop_unroll_factor = 4 : i64, sc.parallel_access}
    %dma_wait3A_166 = arith.constant 512 : i32
    %dma_wait3A_167 = tpu.memref_slice %arg13[%dma_wait3A_166] : memref<1024xf32, #tpu.memory_space<vmem>> -> memref<512xf32, #tpu.memory_space<vmem>>
    %dma_wait3A_168 = tpu.memref_slice %arg2[%add3A_4] : memref<32768xf32, #tpu.memory_space<hbm>> -> memref<512xf32, #tpu.memory_space<hbm>>
    %dma_wait3A_169 = arith.constant 512 : i32
    %dma_wait3A_170 = tpu.memref_slice %arg13[%dma_wait3A_169] : memref<1024xf32, #tpu.memory_space<vmem>> -> memref<512xf32, #tpu.memory_space<vmem>>
    %dma_wait3A_171 = tpu.memref_slice %arg2[%add3A_4] : memref<32768xf32, #tpu.memory_space<hbm>> -> memref<512xf32, #tpu.memory_space<hbm>>
    tpu.wait_dma2 semaphore(%arg26 : memref<!tpu.dma_semaphore, #tpu.memory_space<semaphore_mem>>) src(%dma_wait3A_171 : memref<512xf32, #tpu.memory_space<hbm>>) dst(%dma_wait3A_170 : memref<512xf32, #tpu.memory_space<vmem>>)
    %dma_wait3A_172 = arith.constant 512 : i32
    %dma_wait3A_173 = tpu.memref_slice %arg14[%dma_wait3A_172] : memref<1024xf32, #tpu.memory_space<vmem>> -> memref<512xf32, #tpu.memory_space<vmem>>
    %dma_wait3A_174 = tpu.memref_slice %arg3[%add3A_4] : memref<32768xf32, #tpu.memory_space<hbm>> -> memref<512xf32, #tpu.memory_space<hbm>>
    %dma_wait3A_175 = arith.constant 512 : i32
    %dma_wait3A_176 = tpu.memref_slice %arg14[%dma_wait3A_175] : memref<1024xf32, #tpu.memory_space<vmem>> -> memref<512xf32, #tpu.memory_space<vmem>>
    %dma_wait3A_177 = tpu.memref_slice %arg3[%add3A_4] : memref<32768xf32, #tpu.memory_space<hbm>> -> memref<512xf32, #tpu.memory_space<hbm>>
    tpu.wait_dma2 semaphore(%arg26 : memref<!tpu.dma_semaphore, #tpu.memory_space<semaphore_mem>>) src(%dma_wait3A_177 : memref<512xf32, #tpu.memory_space<hbm>>) dst(%dma_wait3A_176 : memref<512xf32, #tpu.memory_space<vmem>>)
    %dma_wait3A_178 = arith.constant 512 : i32
    %dma_wait3A_179 = tpu.memref_slice %arg15[%dma_wait3A_178] : memref<1024xf32, #tpu.memory_space<vmem>> -> memref<512xf32, #tpu.memory_space<vmem>>
    %dma_wait3A_180 = tpu.memref_slice %arg4[%add3A_4] : memref<32768xf32, #tpu.memory_space<hbm>> -> memref<512xf32, #tpu.memory_space<hbm>>
    %dma_wait3A_181 = arith.constant 512 : i32
    %dma_wait3A_182 = tpu.memref_slice %arg15[%dma_wait3A_181] : memref<1024xf32, #tpu.memory_space<vmem>> -> memref<512xf32, #tpu.memory_space<vmem>>
    %dma_wait3A_183 = tpu.memref_slice %arg4[%add3A_4] : memref<32768xf32, #tpu.memory_space<hbm>> -> memref<512xf32, #tpu.memory_space<hbm>>
    tpu.wait_dma2 semaphore(%arg26 : memref<!tpu.dma_semaphore, #tpu.memory_space<semaphore_mem>>) src(%dma_wait3A_183 : memref<512xf32, #tpu.memory_space<hbm>>) dst(%dma_wait3A_182 : memref<512xf32, #tpu.memory_space<vmem>>)
    %dma_wait3A_184 = arith.constant 512 : i32
    %dma_wait3A_185 = tpu.memref_slice %arg16[%dma_wait3A_184] : memref<1024xi32, #tpu.memory_space<vmem>> -> memref<512xi32, #tpu.memory_space<vmem>>
    %dma_wait3A_186 = tpu.memref_slice %arg5[%add3A_4] : memref<32768xi32, #tpu.memory_space<hbm>> -> memref<512xi32, #tpu.memory_space<hbm>>
    %dma_wait3A_187 = arith.constant 512 : i32
    %dma_wait3A_188 = tpu.memref_slice %arg16[%dma_wait3A_187] : memref<1024xi32, #tpu.memory_space<vmem>> -> memref<512xi32, #tpu.memory_space<vmem>>
    %dma_wait3A_189 = tpu.memref_slice %arg5[%add3A_4] : memref<32768xi32, #tpu.memory_space<hbm>> -> memref<512xi32, #tpu.memory_space<hbm>>
    tpu.wait_dma2 semaphore(%arg26 : memref<!tpu.dma_semaphore, #tpu.memory_space<semaphore_mem>>) src(%dma_wait3A_189 : memref<512xi32, #tpu.memory_space<hbm>>) dst(%dma_wait3A_188 : memref<512xi32, #tpu.memory_space<vmem>>)
    %dma_wait3A_190 = arith.constant 512 : i32
    %dma_wait3A_191 = tpu.memref_slice %arg17[%dma_wait3A_190] : memref<1024xi32, #tpu.memory_space<vmem>> -> memref<512xi32, #tpu.memory_space<vmem>>
    %dma_wait3A_192 = tpu.memref_slice %arg6[%add3A_4] : memref<32768xi32, #tpu.memory_space<hbm>> -> memref<512xi32, #tpu.memory_space<hbm>>
    %dma_wait3A_193 = arith.constant 512 : i32
    %dma_wait3A_194 = tpu.memref_slice %arg17[%dma_wait3A_193] : memref<1024xi32, #tpu.memory_space<vmem>> -> memref<512xi32, #tpu.memory_space<vmem>>
    %dma_wait3A_195 = tpu.memref_slice %arg6[%add3A_4] : memref<32768xi32, #tpu.memory_space<hbm>> -> memref<512xi32, #tpu.memory_space<hbm>>
    tpu.wait_dma2 semaphore(%arg26 : memref<!tpu.dma_semaphore, #tpu.memory_space<semaphore_mem>>) src(%dma_wait3A_195 : memref<512xi32, #tpu.memory_space<hbm>>) dst(%dma_wait3A_194 : memref<512xi32, #tpu.memory_space<vmem>>)
    %dma_start3A_196 = arith.constant 0 : i32
    %dma_start3A_197 = tpu.memref_slice %arg18[%dma_start3A_196] : memref<1024xf32, #tpu.memory_space<vmem>> -> memref<512xf32, #tpu.memory_space<vmem>>
    %dma_start3A_198 = tpu.memref_slice %arg8[%mul3A_2] : memref<32768xf32, #tpu.memory_space<hbm>> -> memref<512xf32, #tpu.memory_space<hbm>>
    %dma_start3A_199 = tpu.memref_slice %arg8[%mul3A_2] : memref<32768xf32, #tpu.memory_space<hbm>> -> memref<512xf32, #tpu.memory_space<hbm>>
    %dma_start3A_200 = arith.constant 0 : i32
    %dma_start3A_201 = tpu.memref_slice %arg18[%dma_start3A_200] : memref<1024xf32, #tpu.memory_space<vmem>> -> memref<512xf32, #tpu.memory_space<vmem>>
    tpu.enqueue_dma source(%dma_start3A_201 : memref<512xf32, #tpu.memory_space<vmem>>) target(%dma_start3A_199 : memref<512xf32, #tpu.memory_space<hbm>>) target_semaphore(%arg25 : memref<!tpu.dma_semaphore, #tpu.memory_space<semaphore_mem>>)
    %dma_start3A_202 = arith.constant 0 : i32
    %dma_start3A_203 = tpu.memref_slice %arg19[%dma_start3A_202] : memref<1024xf32, #tpu.memory_space<vmem>> -> memref<512xf32, #tpu.memory_space<vmem>>
    %dma_start3A_204 = tpu.memref_slice %arg9[%mul3A_2] : memref<32768xf32, #tpu.memory_space<hbm>> -> memref<512xf32, #tpu.memory_space<hbm>>
    %dma_start3A_205 = tpu.memref_slice %arg9[%mul3A_2] : memref<32768xf32, #tpu.memory_space<hbm>> -> memref<512xf32, #tpu.memory_space<hbm>>
    %dma_start3A_206 = arith.constant 0 : i32
    %dma_start3A_207 = tpu.memref_slice %arg19[%dma_start3A_206] : memref<1024xf32, #tpu.memory_space<vmem>> -> memref<512xf32, #tpu.memory_space<vmem>>
    tpu.enqueue_dma source(%dma_start3A_207 : memref<512xf32, #tpu.memory_space<vmem>>) target(%dma_start3A_205 : memref<512xf32, #tpu.memory_space<hbm>>) target_semaphore(%arg25 : memref<!tpu.dma_semaphore, #tpu.memory_space<semaphore_mem>>)
    %dma_start3A_208 = arith.constant 0 : i32
    %dma_start3A_209 = tpu.memref_slice %arg20[%dma_start3A_208] : memref<1024xf32, #tpu.memory_space<vmem>> -> memref<512xf32, #tpu.memory_space<vmem>>
    %dma_start3A_210 = tpu.memref_slice %arg10[%mul3A_2] : memref<32768xf32, #tpu.memory_space<hbm>> -> memref<512xf32, #tpu.memory_space<hbm>>
    %dma_start3A_211 = tpu.memref_slice %arg10[%mul3A_2] : memref<32768xf32, #tpu.memory_space<hbm>> -> memref<512xf32, #tpu.memory_space<hbm>>
    %dma_start3A_212 = arith.constant 0 : i32
    %dma_start3A_213 = tpu.memref_slice %arg20[%dma_start3A_212] : memref<1024xf32, #tpu.memory_space<vmem>> -> memref<512xf32, #tpu.memory_space<vmem>>
    tpu.enqueue_dma source(%dma_start3A_213 : memref<512xf32, #tpu.memory_space<vmem>>) target(%dma_start3A_211 : memref<512xf32, #tpu.memory_space<hbm>>) target_semaphore(%arg25 : memref<!tpu.dma_semaphore, #tpu.memory_space<semaphore_mem>>)
    %parallel_loop3A_214 = arith.constant 32 : i32
    %parallel_loop3A_215 = arith.constant 64 : i32
    %parallel_loop3A_216 = arith.constant 1 : i32
    scf.for %parallel_loop3A_363 = %parallel_loop3A_214 to %parallel_loop3A_215 step %parallel_loop3A_216  : i32 {
      %parallel_loop3A_364 = arith.constant 16 : i32
      %parallel_loop3A_365 = arith.muli %parallel_loop3A_363, %parallel_loop3A_364 : i32
      %parallel_loop3A_366 = arith.index_cast %parallel_loop3A_365 : i32 to index
      %parallel_loop3A_367 = tpu.vector_load %arg13[%parallel_loop3A_366] {strides = array<i32>} : memref<1024xf32, #tpu.memory_space<vmem>>, vector<16xf32>,
      %parallel_loop3A_368 = arith.index_cast %parallel_loop3A_365 : i32 to index
      %parallel_loop3A_369 = tpu.vector_load %arg14[%parallel_loop3A_368] {strides = array<i32>} : memref<1024xf32, #tpu.memory_space<vmem>>, vector<16xf32>,
      %parallel_loop3A_370 = arith.index_cast %parallel_loop3A_365 : i32 to index
      %parallel_loop3A_371 = tpu.vector_load %arg15[%parallel_loop3A_370] {strides = array<i32>} : memref<1024xf32, #tpu.memory_space<vmem>>, vector<16xf32>,
      %parallel_loop3A_372 = arith.index_cast %parallel_loop3A_365 : i32 to index
      %parallel_loop3A_373 = tpu.vector_load %arg16[%parallel_loop3A_372] {strides = array<i32>} : memref<1024xi32, #tpu.memory_space<vmem>>, vector<16xi32>,
      %parallel_loop3A_374 = arith.sitofp %parallel_loop3A_373 : vector<16xi32> to vector<16xf32>
      %parallel_loop3A_375 = arith.index_cast %parallel_loop3A_365 : i32 to index
      %parallel_loop3A_376 = tpu.vector_load %arg17[%parallel_loop3A_375] {strides = array<i32>} : memref<1024xi32, #tpu.memory_space<vmem>>, vector<16xi32>,
      %parallel_loop3A_377 = arith.constant -1.000000e-01 : f32
      %parallel_loop3A_378 = vector.broadcast %parallel_loop3A_377 : f32 to vector<16xf32>
      %parallel_loop3A_379 = arith.mulf %parallel_loop3A_374, %parallel_loop3A_378 : vector<16xf32>
      %parallel_loop3A_380 = arith.mulf %parallel_loop3A_367, %parallel_loop3A_379 : vector<16xf32>
      %parallel_loop3A_381 = arith.index_cast %parallel_loop3A_365 : i32 to index
      %parallel_loop3A_382 = tpu.vector_load %arg18[%parallel_loop3A_381] {strides = array<i32>} : memref<1024xf32, #tpu.memory_space<vmem>>, vector<16xf32>,
      tpu.vector_store %arg18[%parallel_loop3A_381], %parallel_loop3A_380 {strides = array<i32>} : memref<1024xf32, #tpu.memory_space<vmem>>, vector<16xf32>,
      %parallel_loop3A_383 = arith.mulf %parallel_loop3A_369, %parallel_loop3A_379 : vector<16xf32>
      %parallel_loop3A_384 = arith.index_cast %parallel_loop3A_365 : i32 to index
      %parallel_loop3A_385 = tpu.vector_load %arg19[%parallel_loop3A_384] {strides = array<i32>} : memref<1024xf32, #tpu.memory_space<vmem>>, vector<16xf32>,
      tpu.vector_store %arg19[%parallel_loop3A_384], %parallel_loop3A_383 {strides = array<i32>} : memref<1024xf32, #tpu.memory_space<vmem>>, vector<16xf32>,
      %parallel_loop3A_386 = arith.mulf %parallel_loop3A_371, %parallel_loop3A_379 : vector<16xf32>
      %parallel_loop3A_387 = arith.index_cast %parallel_loop3A_365 : i32 to index
      %parallel_loop3A_388 = tpu.vector_load %arg20[%parallel_loop3A_387] {strides = array<i32>} : memref<1024xf32, #tpu.memory_space<vmem>>, vector<16xf32>,
      tpu.vector_store %arg20[%parallel_loop3A_387], %parallel_loop3A_386 {strides = array<i32>} : memref<1024xf32, #tpu.memory_space<vmem>>, vector<16xf32>,
      %parallel_loop3A_389 = arith.mulf %parallel_loop3A_367, %parallel_loop3A_367 : vector<16xf32>
      %parallel_loop3A_390 = arith.mulf %parallel_loop3A_369, %parallel_loop3A_369 : vector<16xf32>
      %parallel_loop3A_391 = arith.addf %parallel_loop3A_389, %parallel_loop3A_390 : vector<16xf32>
      %parallel_loop3A_392 = arith.mulf %parallel_loop3A_371, %parallel_loop3A_371 : vector<16xf32>
      %parallel_loop3A_393 = arith.addf %parallel_loop3A_391, %parallel_loop3A_392 : vector<16xf32>
      %parallel_loop3A_394 = vector.bitcast %parallel_loop3A_393 : vector<16xf32> to vector<16xi32>
      %parallel_loop3A_395 = arith.constant 1 : i32
      %parallel_loop3A_396 = vector.broadcast %parallel_loop3A_395 : i32 to vector<16xi32>
      %parallel_loop3A_397 = arith.shrsi %parallel_loop3A_394, %parallel_loop3A_396 : vector<16xi32>
      %parallel_loop3A_398 = arith.constant 1597463007 : i32
      %parallel_loop3A_399 = vector.broadcast %parallel_loop3A_398 : i32 to vector<16xi32>
      %parallel_loop3A_400 = arith.subi %parallel_loop3A_399, %parallel_loop3A_397 : vector<16xi32>
      %parallel_loop3A_401 = vector.bitcast %parallel_loop3A_400 : vector<16xi32> to vector<16xf32>
      %parallel_loop3A_402 = arith.constant 5.000000e-01 : f32
      %parallel_loop3A_403 = vector.broadcast %parallel_loop3A_402 : f32 to vector<16xf32>
      %parallel_loop3A_404 = arith.mulf %parallel_loop3A_403, %parallel_loop3A_393 : vector<16xf32>
      %parallel_loop3A_405 = arith.mulf %parallel_loop3A_404, %parallel_loop3A_401 : vector<16xf32>
      %parallel_loop3A_406 = arith.mulf %parallel_loop3A_405, %parallel_loop3A_401 : vector<16xf32>
      %parallel_loop3A_407 = arith.constant 1.500000e+00 : f32
      %parallel_loop3A_408 = vector.broadcast %parallel_loop3A_407 : f32 to vector<16xf32>
      %parallel_loop3A_409 = arith.subf %parallel_loop3A_408, %parallel_loop3A_406 : vector<16xf32>
      %parallel_loop3A_410 = arith.mulf %parallel_loop3A_401, %parallel_loop3A_409 : vector<16xf32>
      %parallel_loop3A_411 = arith.constant 5.000000e-01 : f32
      %parallel_loop3A_412 = vector.broadcast %parallel_loop3A_411 : f32 to vector<16xf32>
      %parallel_loop3A_413 = arith.mulf %parallel_loop3A_412, %parallel_loop3A_393 : vector<16xf32>
      %parallel_loop3A_414 = arith.mulf %parallel_loop3A_413, %parallel_loop3A_410 : vector<16xf32>
      %parallel_loop3A_415 = arith.mulf %parallel_loop3A_414, %parallel_loop3A_410 : vector<16xf32>
      %parallel_loop3A_416 = arith.constant 1.500000e+00 : f32
      %parallel_loop3A_417 = vector.broadcast %parallel_loop3A_416 : f32 to vector<16xf32>
      %parallel_loop3A_418 = arith.subf %parallel_loop3A_417, %parallel_loop3A_415 : vector<16xf32>
      %parallel_loop3A_419 = arith.mulf %parallel_loop3A_410, %parallel_loop3A_418 : vector<16xf32>
      %parallel_loop3A_420 = arith.mulf %parallel_loop3A_393, %parallel_loop3A_419 : vector<16xf32>
      %parallel_loop3A_421 = arith.constant 1.000000e+00 : f32
      %parallel_loop3A_422 = vector.broadcast %parallel_loop3A_421 : f32 to vector<16xf32>
      %parallel_loop3A_423 = arith.mulf %parallel_loop3A_374, %parallel_loop3A_422 : vector<16xf32>
      %parallel_loop3A_424 = arith.mulf %parallel_loop3A_420, %parallel_loop3A_423 : vector<16xf32>
      tpu.vector_store_idx %arg21[%iota3A, %parallel_loop3A_376], %parallel_loop3A_424 {add = true} : memref<16x16xf32, #tpu.memory_space<vmem>>[vector<16xi32>, vector<16xi32>], vector<16xf32>,
    } {sc.loop_unroll_factor = 4 : i64, sc.parallel_access}
    %get3A = arith.constant 0 : i32
    %get3A_217 = arith.index_cast %get3A : i32 to index
    %get3A_218 = arith.constant 0 : index
    %get3A_219 = tpu.vector_load %arg21[%get3A_217, %get3A_218] {strides = array<i32>} : memref<16x16xf32, #tpu.memory_space<vmem>>, vector<16xf32>,
    %get3A_220 = arith.constant 1 : i32
    %get3A_221 = arith.index_cast %get3A_220 : i32 to index
    %get3A_222 = arith.constant 0 : index
    %get3A_223 = tpu.vector_load %arg21[%get3A_221, %get3A_222] {strides = array<i32>} : memref<16x16xf32, #tpu.memory_space<vmem>>, vector<16xf32>,
    %add3A_224 = arith.addf %get3A_219, %get3A_223 : vector<16xf32>
    %get3A_225 = arith.constant 2 : i32
    %get3A_226 = arith.index_cast %get3A_225 : i32 to index
    %get3A_227 = arith.constant 0 : index
    %get3A_228 = tpu.vector_load %arg21[%get3A_226, %get3A_227] {strides = array<i32>} : memref<16x16xf32, #tpu.memory_space<vmem>>, vector<16xf32>,
    %add3A_229 = arith.addf %add3A_224, %get3A_228 : vector<16xf32>
    %get3A_230 = arith.constant 3 : i32
    %get3A_231 = arith.index_cast %get3A_230 : i32 to index
    %get3A_232 = arith.constant 0 : index
    %get3A_233 = tpu.vector_load %arg21[%get3A_231, %get3A_232] {strides = array<i32>} : memref<16x16xf32, #tpu.memory_space<vmem>>, vector<16xf32>,
    %add3A_234 = arith.addf %add3A_229, %get3A_233 : vector<16xf32>
    %get3A_235 = arith.constant 4 : i32
    %get3A_236 = arith.index_cast %get3A_235 : i32 to index
    %get3A_237 = arith.constant 0 : index
    %get3A_238 = tpu.vector_load %arg21[%get3A_236, %get3A_237] {strides = array<i32>} : memref<16x16xf32, #tpu.memory_space<vmem>>, vector<16xf32>,
    %add3A_239 = arith.addf %add3A_234, %get3A_238 : vector<16xf32>
    %get3A_240 = arith.constant 5 : i32
    %get3A_241 = arith.index_cast %get3A_240 : i32 to index
    %get3A_242 = arith.constant 0 : index
    %get3A_243 = tpu.vector_load %arg21[%get3A_241, %get3A_242] {strides = array<i32>} : memref<16x16xf32, #tpu.memory_space<vmem>>, vector<16xf32>,
    %add3A_244 = arith.addf %add3A_239, %get3A_243 : vector<16xf32>
    %get3A_245 = arith.constant 6 : i32
    %get3A_246 = arith.index_cast %get3A_245 : i32 to index
    %get3A_247 = arith.constant 0 : index
    %get3A_248 = tpu.vector_load %arg21[%get3A_246, %get3A_247] {strides = array<i32>} : memref<16x16xf32, #tpu.memory_space<vmem>>, vector<16xf32>,
    %add3A_249 = arith.addf %add3A_244, %get3A_248 : vector<16xf32>
    %get3A_250 = arith.constant 7 : i32
    %get3A_251 = arith.index_cast %get3A_250 : i32 to index
    %get3A_252 = arith.constant 0 : index
    %get3A_253 = tpu.vector_load %arg21[%get3A_251, %get3A_252] {strides = array<i32>} : memref<16x16xf32, #tpu.memory_space<vmem>>, vector<16xf32>,
    %add3A_254 = arith.addf %add3A_249, %get3A_253 : vector<16xf32>
    %get3A_255 = arith.constant 8 : i32
    %get3A_256 = arith.index_cast %get3A_255 : i32 to index
    %get3A_257 = arith.constant 0 : index
    %get3A_258 = tpu.vector_load %arg21[%get3A_256, %get3A_257] {strides = array<i32>} : memref<16x16xf32, #tpu.memory_space<vmem>>, vector<16xf32>,
    %add3A_259 = arith.addf %add3A_254, %get3A_258 : vector<16xf32>
    %get3A_260 = arith.constant 9 : i32
    %get3A_261 = arith.index_cast %get3A_260 : i32 to index
    %get3A_262 = arith.constant 0 : index
    %get3A_263 = tpu.vector_load %arg21[%get3A_261, %get3A_262] {strides = array<i32>} : memref<16x16xf32, #tpu.memory_space<vmem>>, vector<16xf32>,
    %add3A_264 = arith.addf %add3A_259, %get3A_263 : vector<16xf32>
    %get3A_265 = arith.constant 10 : i32
    %get3A_266 = arith.index_cast %get3A_265 : i32 to index
    %get3A_267 = arith.constant 0 : index
    %get3A_268 = tpu.vector_load %arg21[%get3A_266, %get3A_267] {strides = array<i32>} : memref<16x16xf32, #tpu.memory_space<vmem>>, vector<16xf32>,
    %add3A_269 = arith.addf %add3A_264, %get3A_268 : vector<16xf32>
    %get3A_270 = arith.constant 11 : i32
    %get3A_271 = arith.index_cast %get3A_270 : i32 to index
    %get3A_272 = arith.constant 0 : index
    %get3A_273 = tpu.vector_load %arg21[%get3A_271, %get3A_272] {strides = array<i32>} : memref<16x16xf32, #tpu.memory_space<vmem>>, vector<16xf32>,
    %add3A_274 = arith.addf %add3A_269, %get3A_273 : vector<16xf32>
    %get3A_275 = arith.constant 12 : i32
    %get3A_276 = arith.index_cast %get3A_275 : i32 to index
    %get3A_277 = arith.constant 0 : index
    %get3A_278 = tpu.vector_load %arg21[%get3A_276, %get3A_277] {strides = array<i32>} : memref<16x16xf32, #tpu.memory_space<vmem>>, vector<16xf32>,
    %add3A_279 = arith.addf %add3A_274, %get3A_278 : vector<16xf32>
    %get3A_280 = arith.constant 13 : i32
    %get3A_281 = arith.index_cast %get3A_280 : i32 to index
    %get3A_282 = arith.constant 0 : index
    %get3A_283 = tpu.vector_load %arg21[%get3A_281, %get3A_282] {strides = array<i32>} : memref<16x16xf32, #tpu.memory_space<vmem>>, vector<16xf32>,
    %add3A_284 = arith.addf %add3A_279, %get3A_283 : vector<16xf32>
    %get3A_285 = arith.constant 14 : i32
    %get3A_286 = arith.index_cast %get3A_285 : i32 to index
    %get3A_287 = arith.constant 0 : index
    %get3A_288 = tpu.vector_load %arg21[%get3A_286, %get3A_287] {strides = array<i32>} : memref<16x16xf32, #tpu.memory_space<vmem>>, vector<16xf32>,
    %add3A_289 = arith.addf %add3A_284, %get3A_288 : vector<16xf32>
    %get3A_290 = arith.constant 15 : i32
    %get3A_291 = arith.index_cast %get3A_290 : i32 to index
    %get3A_292 = arith.constant 0 : index
    %get3A_293 = tpu.vector_load %arg21[%get3A_291, %get3A_292] {strides = array<i32>} : memref<16x16xf32, #tpu.memory_space<vmem>>, vector<16xf32>,
    %add3A_294 = arith.addf %add3A_289, %get3A_293 : vector<16xf32>
    %swap3A_295 = arith.constant 0 : index
    %swap3A_296 = tpu.vector_load %arg22[%swap3A_295] {strides = array<i32>} : memref<16xf32, #tpu.memory_space<vmem>>, vector<16xf32>,
    tpu.vector_store %arg22[%swap3A_295], %add3A_294 {strides = array<i32>} : memref<16xf32, #tpu.memory_space<vmem>>, vector<16xf32>,
    %dma_start3A_297 = arith.constant 512 : i32
    %dma_start3A_298 = tpu.memref_slice %arg18[%dma_start3A_297] : memref<1024xf32, #tpu.memory_space<vmem>> -> memref<512xf32, #tpu.memory_space<vmem>>
    %dma_start3A_299 = tpu.memref_slice %arg8[%add3A_4] : memref<32768xf32, #tpu.memory_space<hbm>> -> memref<512xf32, #tpu.memory_space<hbm>>
    %dma_start3A_300 = tpu.memref_slice %arg8[%add3A_4] : memref<32768xf32, #tpu.memory_space<hbm>> -> memref<512xf32, #tpu.memory_space<hbm>>
    %dma_start3A_301 = arith.constant 512 : i32
    %dma_start3A_302 = tpu.memref_slice %arg18[%dma_start3A_301] : memref<1024xf32, #tpu.memory_space<vmem>> -> memref<512xf32, #tpu.memory_space<vmem>>
    tpu.enqueue_dma source(%dma_start3A_302 : memref<512xf32, #tpu.memory_space<vmem>>) target(%dma_start3A_300 : memref<512xf32, #tpu.memory_space<hbm>>) target_semaphore(%arg26 : memref<!tpu.dma_semaphore, #tpu.memory_space<semaphore_mem>>)
    %dma_start3A_303 = arith.constant 512 : i32
    %dma_start3A_304 = tpu.memref_slice %arg19[%dma_start3A_303] : memref<1024xf32, #tpu.memory_space<vmem>> -> memref<512xf32, #tpu.memory_space<vmem>>
    %dma_start3A_305 = tpu.memref_slice %arg9[%add3A_4] : memref<32768xf32, #tpu.memory_space<hbm>> -> memref<512xf32, #tpu.memory_space<hbm>>
    %dma_start3A_306 = tpu.memref_slice %arg9[%add3A_4] : memref<32768xf32, #tpu.memory_space<hbm>> -> memref<512xf32, #tpu.memory_space<hbm>>
    %dma_start3A_307 = arith.constant 512 : i32
    %dma_start3A_308 = tpu.memref_slice %arg19[%dma_start3A_307] : memref<1024xf32, #tpu.memory_space<vmem>> -> memref<512xf32, #tpu.memory_space<vmem>>
    tpu.enqueue_dma source(%dma_start3A_308 : memref<512xf32, #tpu.memory_space<vmem>>) target(%dma_start3A_306 : memref<512xf32, #tpu.memory_space<hbm>>) target_semaphore(%arg26 : memref<!tpu.dma_semaphore, #tpu.memory_space<semaphore_mem>>)
    %dma_start3A_309 = arith.constant 512 : i32
    %dma_start3A_310 = tpu.memref_slice %arg20[%dma_start3A_309] : memref<1024xf32, #tpu.memory_space<vmem>> -> memref<512xf32, #tpu.memory_space<vmem>>
    %dma_start3A_311 = tpu.memref_slice %arg10[%add3A_4] : memref<32768xf32, #tpu.memory_space<hbm>> -> memref<512xf32, #tpu.memory_space<hbm>>
    %dma_start3A_312 = tpu.memref_slice %arg10[%add3A_4] : memref<32768xf32, #tpu.memory_space<hbm>> -> memref<512xf32, #tpu.memory_space<hbm>>
    %dma_start3A_313 = arith.constant 512 : i32
    %dma_start3A_314 = tpu.memref_slice %arg20[%dma_start3A_313] : memref<1024xf32, #tpu.memory_space<vmem>> -> memref<512xf32, #tpu.memory_space<vmem>>
    tpu.enqueue_dma source(%dma_start3A_314 : memref<512xf32, #tpu.memory_space<vmem>>) target(%dma_start3A_312 : memref<512xf32, #tpu.memory_space<hbm>>) target_semaphore(%arg26 : memref<!tpu.dma_semaphore, #tpu.memory_space<semaphore_mem>>)
    %dma_start3A_315 = arith.constant 0 : i32
    %dma_start3A_316 = tpu.memref_slice %arg11[%add3A, %dma_start3A_315] : memref<32x16xf32, #tpu.memory_space<hbm>> -> memref<1x16xf32, #tpu.memory_space<hbm>>
    %dma_start3A_317 = tpu.memref_squeeze %dma_start3A_316 : memref<1x16xf32, #tpu.memory_space<hbm>> -> memref<16xf32, #tpu.memory_space<hbm>>
    %dma_start3A_318 = arith.constant 0 : i32
    %dma_start3A_319 = tpu.memref_slice %arg11[%add3A, %dma_start3A_318] : memref<32x16xf32, #tpu.memory_space<hbm>> -> memref<1x16xf32, #tpu.memory_space<hbm>>
    %dma_start3A_320 = tpu.memref_squeeze %dma_start3A_319 : memref<1x16xf32, #tpu.memory_space<hbm>> -> memref<16xf32, #tpu.memory_space<hbm>>
    tpu.enqueue_dma source(%arg22 : memref<16xf32, #tpu.memory_space<vmem>>) target(%dma_start3A_320 : memref<16xf32, #tpu.memory_space<hbm>>) target_semaphore(%arg26 : memref<!tpu.dma_semaphore, #tpu.memory_space<semaphore_mem>>)
    %dma_wait3A_321 = arith.constant 0 : i32
    %dma_wait3A_322 = tpu.memref_slice %arg18[%dma_wait3A_321] : memref<1024xf32, #tpu.memory_space<vmem>> -> memref<512xf32, #tpu.memory_space<vmem>>
    %dma_wait3A_323 = tpu.memref_slice %arg8[%mul3A_2] : memref<32768xf32, #tpu.memory_space<hbm>> -> memref<512xf32, #tpu.memory_space<hbm>>
    %dma_wait3A_324 = tpu.memref_slice %arg8[%mul3A_2] : memref<32768xf32, #tpu.memory_space<hbm>> -> memref<512xf32, #tpu.memory_space<hbm>>
    %dma_wait3A_325 = arith.constant 0 : i32
    %dma_wait3A_326 = tpu.memref_slice %arg18[%dma_wait3A_325] : memref<1024xf32, #tpu.memory_space<vmem>> -> memref<512xf32, #tpu.memory_space<vmem>>
    tpu.wait_dma2 semaphore(%arg25 : memref<!tpu.dma_semaphore, #tpu.memory_space<semaphore_mem>>) src(%dma_wait3A_326 : memref<512xf32, #tpu.memory_space<vmem>>) dst(%dma_wait3A_324 : memref<512xf32, #tpu.memory_space<hbm>>)
    %dma_wait3A_327 = arith.constant 0 : i32
    %dma_wait3A_328 = tpu.memref_slice %arg19[%dma_wait3A_327] : memref<1024xf32, #tpu.memory_space<vmem>> -> memref<512xf32, #tpu.memory_space<vmem>>
    %dma_wait3A_329 = tpu.memref_slice %arg9[%mul3A_2] : memref<32768xf32, #tpu.memory_space<hbm>> -> memref<512xf32, #tpu.memory_space<hbm>>
    %dma_wait3A_330 = tpu.memref_slice %arg9[%mul3A_2] : memref<32768xf32, #tpu.memory_space<hbm>> -> memref<512xf32, #tpu.memory_space<hbm>>
    %dma_wait3A_331 = arith.constant 0 : i32
    %dma_wait3A_332 = tpu.memref_slice %arg19[%dma_wait3A_331] : memref<1024xf32, #tpu.memory_space<vmem>> -> memref<512xf32, #tpu.memory_space<vmem>>
    tpu.wait_dma2 semaphore(%arg25 : memref<!tpu.dma_semaphore, #tpu.memory_space<semaphore_mem>>) src(%dma_wait3A_332 : memref<512xf32, #tpu.memory_space<vmem>>) dst(%dma_wait3A_330 : memref<512xf32, #tpu.memory_space<hbm>>)
    %dma_wait3A_333 = arith.constant 0 : i32
    %dma_wait3A_334 = tpu.memref_slice %arg20[%dma_wait3A_333] : memref<1024xf32, #tpu.memory_space<vmem>> -> memref<512xf32, #tpu.memory_space<vmem>>
    %dma_wait3A_335 = tpu.memref_slice %arg10[%mul3A_2] : memref<32768xf32, #tpu.memory_space<hbm>> -> memref<512xf32, #tpu.memory_space<hbm>>
    %dma_wait3A_336 = tpu.memref_slice %arg10[%mul3A_2] : memref<32768xf32, #tpu.memory_space<hbm>> -> memref<512xf32, #tpu.memory_space<hbm>>
    %dma_wait3A_337 = arith.constant 0 : i32
    %dma_wait3A_338 = tpu.memref_slice %arg20[%dma_wait3A_337] : memref<1024xf32, #tpu.memory_space<vmem>> -> memref<512xf32, #tpu.memory_space<vmem>>
    tpu.wait_dma2 semaphore(%arg25 : memref<!tpu.dma_semaphore, #tpu.memory_space<semaphore_mem>>) src(%dma_wait3A_338 : memref<512xf32, #tpu.memory_space<vmem>>) dst(%dma_wait3A_336 : memref<512xf32, #tpu.memory_space<hbm>>)
    %dma_wait3A_339 = arith.constant 512 : i32
    %dma_wait3A_340 = tpu.memref_slice %arg18[%dma_wait3A_339] : memref<1024xf32, #tpu.memory_space<vmem>> -> memref<512xf32, #tpu.memory_space<vmem>>
    %dma_wait3A_341 = tpu.memref_slice %arg8[%add3A_4] : memref<32768xf32, #tpu.memory_space<hbm>> -> memref<512xf32, #tpu.memory_space<hbm>>
    %dma_wait3A_342 = tpu.memref_slice %arg8[%add3A_4] : memref<32768xf32, #tpu.memory_space<hbm>> -> memref<512xf32, #tpu.memory_space<hbm>>
    %dma_wait3A_343 = arith.constant 512 : i32
    %dma_wait3A_344 = tpu.memref_slice %arg18[%dma_wait3A_343] : memref<1024xf32, #tpu.memory_space<vmem>> -> memref<512xf32, #tpu.memory_space<vmem>>
    tpu.wait_dma2 semaphore(%arg26 : memref<!tpu.dma_semaphore, #tpu.memory_space<semaphore_mem>>) src(%dma_wait3A_344 : memref<512xf32, #tpu.memory_space<vmem>>) dst(%dma_wait3A_342 : memref<512xf32, #tpu.memory_space<hbm>>)
    %dma_wait3A_345 = arith.constant 512 : i32
    %dma_wait3A_346 = tpu.memref_slice %arg19[%dma_wait3A_345] : memref<1024xf32, #tpu.memory_space<vmem>> -> memref<512xf32, #tpu.memory_space<vmem>>
    %dma_wait3A_347 = tpu.memref_slice %arg9[%add3A_4] : memref<32768xf32, #tpu.memory_space<hbm>> -> memref<512xf32, #tpu.memory_space<hbm>>
    %dma_wait3A_348 = tpu.memref_slice %arg9[%add3A_4] : memref<32768xf32, #tpu.memory_space<hbm>> -> memref<512xf32, #tpu.memory_space<hbm>>
    %dma_wait3A_349 = arith.constant 512 : i32
    %dma_wait3A_350 = tpu.memref_slice %arg19[%dma_wait3A_349] : memref<1024xf32, #tpu.memory_space<vmem>> -> memref<512xf32, #tpu.memory_space<vmem>>
    tpu.wait_dma2 semaphore(%arg26 : memref<!tpu.dma_semaphore, #tpu.memory_space<semaphore_mem>>) src(%dma_wait3A_350 : memref<512xf32, #tpu.memory_space<vmem>>) dst(%dma_wait3A_348 : memref<512xf32, #tpu.memory_space<hbm>>)
    %dma_wait3A_351 = arith.constant 512 : i32
    %dma_wait3A_352 = tpu.memref_slice %arg20[%dma_wait3A_351] : memref<1024xf32, #tpu.memory_space<vmem>> -> memref<512xf32, #tpu.memory_space<vmem>>
    %dma_wait3A_353 = tpu.memref_slice %arg10[%add3A_4] : memref<32768xf32, #tpu.memory_space<hbm>> -> memref<512xf32, #tpu.memory_space<hbm>>
    %dma_wait3A_354 = tpu.memref_slice %arg10[%add3A_4] : memref<32768xf32, #tpu.memory_space<hbm>> -> memref<512xf32, #tpu.memory_space<hbm>>
    %dma_wait3A_355 = arith.constant 512 : i32
    %dma_wait3A_356 = tpu.memref_slice %arg20[%dma_wait3A_355] : memref<1024xf32, #tpu.memory_space<vmem>> -> memref<512xf32, #tpu.memory_space<vmem>>
    tpu.wait_dma2 semaphore(%arg26 : memref<!tpu.dma_semaphore, #tpu.memory_space<semaphore_mem>>) src(%dma_wait3A_356 : memref<512xf32, #tpu.memory_space<vmem>>) dst(%dma_wait3A_354 : memref<512xf32, #tpu.memory_space<hbm>>)
    %dma_wait3A_357 = arith.constant 0 : i32
    %dma_wait3A_358 = tpu.memref_slice %arg11[%add3A, %dma_wait3A_357] : memref<32x16xf32, #tpu.memory_space<hbm>> -> memref<1x16xf32, #tpu.memory_space<hbm>>
    %dma_wait3A_359 = tpu.memref_squeeze %dma_wait3A_358 : memref<1x16xf32, #tpu.memory_space<hbm>> -> memref<16xf32, #tpu.memory_space<hbm>>
    %dma_wait3A_360 = arith.constant 0 : i32
    %dma_wait3A_361 = tpu.memref_slice %arg11[%add3A, %dma_wait3A_360] : memref<32x16xf32, #tpu.memory_space<hbm>> -> memref<1x16xf32, #tpu.memory_space<hbm>>
    %dma_wait3A_362 = tpu.memref_squeeze %dma_wait3A_361 : memref<1x16xf32, #tpu.memory_space<hbm>> -> memref<16xf32, #tpu.memory_space<hbm>>
    tpu.wait_dma2 semaphore(%arg26 : memref<!tpu.dma_semaphore, #tpu.memory_space<semaphore_mem>>) src(%arg22 : memref<16xf32, #tpu.memory_space<vmem>>) dst(%dma_wait3A_362 : memref<16xf32, #tpu.memory_space<hbm>>)
    return
  }
}

</mosaic_0001>

<sc_bundles>
// kernel: kernel.3.cloned.1.call-start
scs
__scs_entry_jumppad:
0x0: {  	(pc) =	sbr.rel $0x88, $3  }
0x1: {  	(tag) =	ssettag $0x0;
	lr =	simm.s32 $0x1  }
0x2: {  	[smem:$0x3F9D] =	sst lr;
	_ =	strace $0xD0000000  }
0x3: {  	_ = 	snop  }
0x4: {  	_ = 	snop  }
0x5: {  	_ = 	snop  }
0x6: {  	_ = 	snop  }
0x7: {  	_ = 	snop  }
__scs_overlays_trampoline_lowered:
0x8: {  	[smem:$0x3FAC] =	sst s0  }
0x9: {  	[smem:$0x3FAD] =	sst s1  }
0xa: {  	[smem:$0x3FAE] =	sst s2  }
0xb: {  	[smem:$0x3FAF] =	sst s3  }
0xc: {  	[smem:$0x3FB0] =	sst s4  }
0xd: {  	[smem:$0x3FB1] =	sst s5  }
0xe: {  	[smem:$0x3FB2] =	sst s6  }
0xf: {  	[smem:$0x3FB3] =	sst s7  }
0x10: {  	[smem:$0x3FB4] =	sst s8  }
0x11: {  	[smem:$0x3FB5] =	sst s9;
	s0 =	simm.s32 @!p0 $0x0  }
0x12: {  	s1 =	sld [smem:$0x3F9B];
	s0 =	simm.s32 @p0 $0x1  }
0x13: {  	[smem:$0x3FB6] =	sst s0;
	s0 =	simm.s32 @!p1 $0x0  }
0x14: {  	s2 =	sld [smem:$0x3F9A];
	s0 =	simm.s32 @p1 $0x1  }
0x15: {  	[smem:$0x3FB7] =	sst s0;
	s0 =	simm.s32 @!p2 $0x0  }
0x16: {  	s3 =	sld [smem:$0x3FDB];
	s0 =	simm.s32 @p2 $0x1  }
0x17: {  	s4 =	simm.s32 $0x1BF5;
	[smem:$0x3FB9] =	sst s0  }
0x18: {  	s0 =	sld [smem:$0x3F9C];
	_ =	swait.ge [sflag:s4], $0x0  }
0x19: {  	s7 =	sld [smem:$0x3F9D]  }
0x1a: {  	s8 =	sadd.s32 $0xFFFFE003, lr  }
0x1b: {  	s9 =	sadd.s32 $0xFFFFFEF7, lr;
	s5 =	simm.s32 $0xFFFFFFFF;
	p2 =	slt.u32 s8, $0xFFFFF086  }
0x1c: {  	p1 =	slt.u32 s9, $0xF7A;
	s5 =	simm.s32 @!p2 $0x0  }
0x1d: {  	s5 =	simm.s32 @p1 $0x1;
	p0 =	seq.s32 s7, s2  }
0x1e: {  	s7 =	smul.u32 @!p0 $0xF7A, s2;
	p2 =	seq.s32 @!p0 s5, $0x0  }
0x1f: {  	s9 =	smul.u32 $0xF7A, s1;
	s8 =	simm.s32 @!p0 $0x1BF5;
	p2 =	por !p2, p0  }
0x20: {  	[sflag:s8] =	ssyncset.s32 @!p0 $0xFFFFF086;
	s6 =	sadd.s32 @!p0 s3, s7;
	s7 =	simm.s32 @!p0 $0x108  }
0x21: {  	s3 =	sadd.s32 s3, s9;
	s6 =	sadd.s32 @!p0 $0x88, s6;
	s7 =	simm.s32 @p2 $0x1082  }
0x22: {  	[simem:s7], [sflag:s8] =	dma.local @!p0 [hbm:s6], $0xF7A  }
0x23: {  	s9 =	sor.u32 $0xD0000000, s2;
	s6 =	simm.s32 $0x108;
	_ =	swait.ge @!p0 [sflag:s8], $0x0  }
0x24: {  	s3 =	sadd.s32 $0x88, s3;
	s6 =	simm.s32 @!p1 $0x1082;
	[sflag:s4] =	ssyncset.s32 $0xFFFFF086  }
0x25: {  	[simem:s6], [sflag:s4] =	dma.local [hbm:s3], $0xF7A  }
0x26: {  	[smem:$0x3F9D] =	sst s1;
	(tag) =	ssettag s2;
	_ =	strace s9  }
0x27: {  	s1 =	sld [smem:$0x3FAD]  }
0x28: {  	s2 =	sld [smem:$0x3FAE]  }
0x29: {  	s4 =	sld [smem:$0x3FB0]  }
0x2a: {  	p0 =	seq.s32 s5, $0x0;
	s5 =	sld [smem:$0x3FB1]  }
0x2b: {  	s6 =	sld [smem:$0x3FB2]  }
0x2c: {  	s7 =	sld [smem:$0x3FB3]  }
0x2d: {  	s3 =	simm.s32 $0x108;
	s8 =	sld [smem:$0x3FB4]  }
0x2e: {  	s3 =	simm.s32 @!p0 $0x1082;
	s9 =	sld [smem:$0x3FB5]  }
0x2f: {  	lr =	sadd.s32 s0, s3;
	s0 =	sld [smem:$0x3FAC]  }
0x30: {  	s3 =	sld [smem:$0x3FAF]  }
0x31: {  	[smem:$0x3FB8] =	sst s10  }
0x32: {  	s10 =	sld [smem:$0x3FB6];
	_ =	sdelay $0x3  }
0x33: {  	p0 =	seq.s32 s10, $0x1;
	s10 =	sld [smem:$0x3FB8];
	_ =	sdelay $0x3  }
0x34: {  	[smem:$0x3FB8] =	sst s10  }
0x35: {  	s10 =	sld [smem:$0x3FB7];
	_ =	sdelay $0x3  }
0x36: {  	p1 =	seq.s32 s10, $0x1;
	s10 =	sld [smem:$0x3FB8];
	_ =	sdelay $0x3  }
0x37: {  	[smem:$0x3FB8] =	sst s10  }
0x38: {  	s10 =	sld [smem:$0x3FB9]  }
0x39: {  	_ = 	snop;
	(pc) =	sbr.ind lr, $3  }
0x3a: {  	_ = 	snop  }
0x3b: {  	_ = 	snop  }
0x3c: {  	p2 =	seq.s32 s10, $0x1;
	s10 =	sld [smem:$0x3FB8]  }
0x3d: {  	_ =	shalt  }
0x3e: {  	_ =	shalt  }
0x3f: {  	_ =	shalt  }
0x40: {  	_ =	shalt  }
0x41: {  	_ =	shalt  }
0x42: {  	_ =	shalt  }
0x43: {  	_ =	shalt  }
0x44: {  	_ =	shalt  }
0x45: {  	_ =	shalt  }
0x46: {  	_ =	shalt  }
0x47: {  	_ =	shalt  }
0x48: {  	_ =	shalt  }
0x49: {  	_ =	shalt  }
0x4a: {  	_ =	shalt  }
0x4b: {  	_ =	shalt  }
0x4c: {  	_ =	shalt  }
0x4d: {  	_ =	shalt  }
0x4e: {  	_ =	shalt  }
0x4f: {  	_ =	shalt  }
0x50: {  	_ =	shalt  }
0x51: {  	_ =	shalt  }
0x52: {  	_ =	shalt  }
0x53: {  	_ =	shalt  }
0x54: {  	_ =	shalt  }
0x55: {  	_ =	shalt  }
0x56: {  	_ =	shalt  }
0x57: {  	_ =	shalt  }
0x58: {  	_ =	shalt  }
0x59: {  	_ =	shalt  }
0x5a: {  	_ =	shalt  }
0x5b: {  	_ =	shalt  }
0x5c: {  	_ =	shalt  }
0x5d: {  	_ =	shalt  }
0x5e: {  	_ =	shalt  }
0x5f: {  	_ =	shalt  }
0x60: {  	_ =	shalt  }
0x61: {  	_ =	shalt  }
0x62: {  	_ =	shalt  }
0x63: {  	_ =	shalt  }
0x64: {  	_ =	shalt  }
0x65: {  	_ =	shalt  }
0x66: {  	_ =	shalt  }
0x67: {  	_ =	shalt  }
0x68: {  	_ =	shalt  }
0x69: {  	_ =	shalt  }
0x6a: {  	_ =	shalt  }
0x6b: {  	_ =	shalt  }
0x6c: {  	_ =	shalt  }
0x6d: {  	_ =	shalt  }
0x6e: {  	_ =	shalt  }
0x6f: {  	_ =	shalt  }
0x70: {  	_ =	shalt  }
0x71: {  	_ =	shalt  }
0x72: {  	_ =	shalt  }
0x73: {  	_ =	shalt  }
0x74: {  	_ =	shalt  }
0x75: {  	_ =	shalt  }
0x76: {  	_ =	shalt  }
0x77: {  	_ =	shalt  }
0x78: {  	_ =	shalt  }
0x79: {  	_ =	shalt  }
0x7a: {  	_ =	shalt  }
0x7b: {  	_ =	shalt  }
0x7c: {  	_ =	shalt  }
0x7d: {  	_ =	shalt  }
0x7e: {  	_ =	shalt  }
0x7f: {  	_ =	shalt  }
0x80: {  	_ =	shalt  }
0x81: {  	_ =	shalt  }
0x82: {  	_ =	shalt  }
0x83: {  	_ =	shalt  }
0x84: {  	_ =	shalt  }
0x85: {  	_ =	shalt  }
0x86: {  	_ =	shalt  }
0x87: {  	_ =	shalt  }
.Lfunc_end0:
.L_simem_size_0:
called_computation_lowered:
.L_overlay_start_0:
0x88: {  	s2 =	sld [smem:$0x3FD9]  }
0x89: {  	s3 =	sld [smem:$0x3FFE];
	_ =	sdelay $0x1  }
0x8a: {  	s1 =	srdreg.scid  }
0x8b: {  	s0 =	sand.u32 $0x1, s1  }
0x8c: {  	s14 =	sshll.u32 s0, $0xA;
	s2 =	sadd.s32 s3, s2  }
0x8d: {  	s2 =	sadd.s32 s2, s14  }
0x8e: {  	[smem:$0x3FC4] =	sst s2  }
0x8f: {  	_ = 	snop  }
0x90: {  	s2 =	sld [smem:$0x3FD0]  }
0x91: {  	s15 =	sld [smem:$0x3FC8]  }
0x92: {  	s4 =	sld [smem:$0x3FC7]  }
0x93: {  	s6 =	simm.s32 $0xA;
	s7 =	simm.s32 $0x10;
	s5 =	sld [smem:$0x3FC6]  }
0x94: {  	[smem:s7], [sflag:s6] =	dma.local [hbm:s2], $0x1  }
0x95: {  	_ =	swait.eq [sflag:s6], $0x1  }
0x96: {  	[sflag:s6] =	ssyncset.done $0x0  }
0x97: {  	s16 =	sld [smem:$0x11];
	[sflag:s6] =	ssyncadd.s32 $0xFFFFFFFF  }
0x98: {  	s17 =	sld [smem:$0x12];
	(tm) =	ssettm $0x1  }
0x99: {  	s18 =	sld [smem:$0x3FFB];
	_ =	sdelay $0x3  }
0x9a: {  	_ =	strace s18  }
0x9b: {  	s7 =	sld [smem:$0x3FFC];
	_ =	sdelay $0x3  }
0x9c: {  	_ =	strace s7  }
0x9d: {  	s7 =	sld [smem:$0x3FFD];
	_ =	sdelay $0x3  }
0x9e: {  	_ =	strace s7  }
0x9f: {  	_ =	strace $0x8FFFFFFF  }
0xa0: {  	s19 =	sld [smem:$0x3FDB];
	_ =	sdelay $0x1  }
0xa1: {  	s8 =	simm.s32 $_scs_section_size  }
0xa2: {  	s9 =	simm.s32 $_size__tile_overlayer_lowered;
	s10 =	simm.s32 $_tile_overlayer_lowered  }
0xa3: {  	s22 =	simm.s32 $0x1BFF;
	s21 =	sshll.u32 s10, $0x1;
	s7 =	sadd.s32 s8, s19  }
0xa4: {  	s11 =	simm.s32 $0x0;
	s20 =	sshll.u32 s9, $0x1;
	s9 =	sadd.s32 s21, s7  }
0xa5: {  	[timem:s11], [sflag:s22] =	dma.local [hbm:s9], s20  }
0xa6: {  	_ =	swait.ge [sflag:s22], s20  }
0xa7: {  	s8 =	ssub.s32 $0x0, s20;
	[sflag:s22] =	ssyncset.done $0x0  }
0xa8: {  	[sflag:s22] =	ssyncadd.s32 s8;
	_ =	sdelay $0x1  }
0xa9: {  	s23 =	simm.s32 $0x1B8B  }
0xaa: {  	_ =	swait.ge [sflag:s23], $0x1  }
0xab: {  	[sflag:s23] =	ssyncset.done $0x0  }
0xac: {  	s25 =	simm.s32 $0x1B8E;
	s24 =	sld [smem:$0x3FFE];
	[sflag:s23] =	ssyncadd.s32 $0xFFFFFFFF  }
0xad: {  	s26 =	simm.s32 $execute0_lowered;
	[smem:$0x3FD2] =	sst s25  }
0xae: {  	s9 =	sshll.u32 s26, $0x1;
	_ =	strace $0x80000046;
	[dreg:$0x1] =	wrdreg $0xFFFFFFFF  }
0xaf: {  	s28 =	simm.s32 $_size_execute0_lowered;
	s7 =	sadd.s32 s7, s9;
	[dreg:$0x0] =	wrdreg $0x0  }
0xb0: {  	s9 =	sshll.u32 s28, $0x1;
	[dreg:$0x2] =	wrdreg s7  }
0xb1: {  	[dreg:$0x3] =	wrdreg s9  }
0xb2: {  	[dreg:$0x4] =	wrdreg $0xC0  }
0xb3: {  	_ =	task [dreg:s11], $0x5FFFF  }
0xb4: {  	[dreg:$0x1] =	wrdreg $0xFFFFFFFF  }
0xb5: {  	[dreg:$0x0] =	wrdreg $0x60  }
0xb6: {  	[dreg:$0x2] =	wrdreg s24  }
0xb7: {  	[dreg:$0x3] =	wrdreg s16  }
0xb8: {  	[dreg:$0x4] =	wrdreg s15  }
0xb9: {  	[dreg:$0x5] =	wrdreg s4  }
0xba: {  	[dreg:$0x6] =	wrdreg s5  }
0xbb: {  	[dreg:$0x7] =	wrdreg s17  }
0xbc: {  	[dreg:$0x8] =	wrdreg $0x9  }
0xbd: {  	_ =	task.clear_ibuf [dreg:s11], $0x9FFFF;
	_ =	strace $0x90000046  }
0xbe: {  	s29 =	simm.s32 $0x9;
	_ =	strace $0x80000048  }
0xbf: {  	_ =	swait.ge [sflag:s29], $0x1  }
0xc0: {  	[sflag:s29] =	ssyncadd.s32 $0xFFFFFFFF  }
0xc1: {  	_ =	strace $0x90000048  }
0xc2: {  	_ =	sfence  }
0xc3: {  	s30 =	sld [smem:$0x0];
	_ =	sdelay $0x2  }
0xc4: {  	s31 =	sshll.u32 s1, $0xD;
	s1 =	sshrl.u32 s1, $0x2  }
0xc5: {  	s3 =	sand.u32 $0x4000, s31;
	s1 =	sadd.s32 s1, s30  }
0xc6: {  	s0 =	sor.u32 s3, s0;
	s1 =	sshll.u32 s1, $0x11  }
0xc7: {  	s0 =	sor.u32 s1, s0  }
0xc8: {  	s0 =	sadd.s32 $0x8F2B, s0  }
0xc9: {  	[sflag:s0] =	ssyncadd.remote.s32 $0x1  }
0xca: {  	_ =	sfence.sel $0xFFFF  }
0xcb: {  	[dreg:$0x0] =	wrdreg $0xFFFFFFFF;
	(pc) =	sbr.abs _section_cstart, $3  }
0xcc: {  	[dreg:$0x1] =	wrdreg $0xFFFFFFFF  }
0xcd: {  	_ =	task.clear_ibuf [dreg:s11], $0x2FFFF;
	_ =	strace $0x9FFFFFFF  }
0xce: {  	(tm) =	ssettm $0x7FFFFFFF  }
0xcf: {  	_ =	shalt  }
tec
execute0_lowered:
.L_overlay_start_1:
0x0: {  	(tag) =	ssettag $0x1  }
0x1: {  	s0 =	rddreg [dreg:$0x0]  }
0x2: {  	s1 =	rddreg [dreg:$0x1]  }
0x3: {  	s2 =	rddreg [dreg:$0x2]  }
0x4: {  	s3 =	rddreg [dreg:$0x3];
	v0 =	vimm.s32 $0x80020100  }
0x5: {  	s4 =	simm.s32 $0x0;
	s5 =	srdreg.scid;
	s15 =	stileid.u32;
	v0 =	vunpack.c.0.s8.s32 v0  }
0x6: {  	s23 =	simm.s32 $0x2;
	[smem:$0x7FF] =	sst s4;
	s5 =	sand.u32 $0x1, s5  }
0x7: {  	vm0 =	vcmask $0xF00;
	s6 =	sadd.s32 $0x1600, s0;
	s8 =	sshll.u32 s15, $0x7;
	s11 =	sadd.s32 $0x600, s0;
	v0 =	vand.u32 $0xFF, v0  }
0x8: {  	vm5 =	vcmask $0x1310;
	s18 =	sadd.s32 $0x2800, s0;
	s24 =	sadd.s32 $0x3800, s0;
	s20 =	sadd.s32 $0x4800, s0;
	v0 =	vnsel vm0, $0x280, v0  }
0x9: {  	vm6 =	vcmask $0x1714;
	_ =	strace $0x80000047;
	s7 =	sshll.u32 s5, $0xB;
	s10 =	ssub.s32 $0x2, s5;
	v0 =	vsel vm5, $0x81, v0  }
0xa: {  	vm7 =	vcmask $0x1B18;
	s31 =	sor.u32 s5, s15;
	s7 =	sor.u32 s8, s7;
	s25 =	sshrl.u32 s10, $0x1;
	v0 =	vsel vm6, $0x82, v0  }
0xb: {  	vm8 =	vcmask $0x1F1C;
	p0 =	sne.s32 s31, $0x0;
	s9 =	sshrl.u32 s7, $0x3;
	s22 =	ssub.s32 s10, s25;
	v0 =	vsel vm7, $0x100, v0  }
0xc: {  	vm9 =	vcmask $0x2320;
	s26 =	sadd.s32 s6, s7;
	s28 =	sadd.s32 s11, s7;
	s29 =	sadd.s32 s1, s7;
	v0 =	vsel vm8, $0x101, v0  }
0xd: {  	vm10 =	vcmask $0x2724;
	s30 =	sadd.s32 s2, s7;
	s21 =	sor.u32 $0x40, s7;
	[dreg:$0x7] =	wrdreg s26;
	v0 =	vsel vm9, $0x102, v0  }
0xe: {  	vm11 =	vcmask $0x2B28;
	s15 =	sadd.s32 s18, s7;
	s16 =	sadd.s32 s24, s7;
	[dreg:$0x8] =	wrdreg s28;
	v0 =	vsel vm10, $0x180, v0  }
0xf: {  	vm12 =	vcmask $0x2F2C;
	s17 =	sadd.s32 s20, s7;
	s0 =	sadd.s32 s9, s0;
	[dreg:$0x9] =	wrdreg s29;
	v0 =	vsel vm11, $0x181, v0  }
0x10: {  	vm13 =	vcmask $0x3330;
	[dreg:$0xa] =	wrdreg s30;
	s9 =	sadd.s32 s3, s7;
	s10 =	sadd.s32 s6, s21;
	v0 =	vsel vm12, $0x182, v0  }
0x11: {  	vm14 =	vcmask $0x3734;
	s11 =	sadd.s32 s11, s21;
	s12 =	sadd.s32 s1, s21;
	s13 =	sadd.s32 s2, s21;
	v0 =	vsel vm13, $0x200, v0  }
0x12: {  	vm15 =	vcmask $0x3B38;
	s14 =	sadd.s32 s3, s21;
	s18 =	sadd.s32 s18, s21;
	s19 =	sadd.s32 s24, s21;
	v0 =	vsel vm14, $0x201, v0  }
0x13: {  	v2 =	vlaneseq.u32;
	s20 =	sadd.s32 s20, s21;
	s22 =	smax.u32 s22, $0x1;
	s2 =	simm.s32 $0x1;
	v0 =	vsel vm15, $0x202, v0  }
0x14: {  	v1 =	vimm.f32 $0.0e+00;
	v2 =	vmul.u32 $0x80, v2;
	s1 =	simm.s32 $0x2000;
	s21 =	sadd.s32 $0x2600, s0;
	s0 =	simm.s32 $0x0;
	[tilespmem:$0x1FFF0] =	vst v0  }
.LBB2_1:
0x15: {  	s3 =	rddreg [dreg:$0x7]  }
0x16: {  	[tilespmem:s4], [sflag:$0x1] =	stream.linear.gather [hbm4b:s3+s4], $0x200, $0x38;
	[tilespmem:$0x2B00] =	vst v63  }
0x17: {  	s6 =	rddreg [dreg:$0x8];
	s5 =	simm.s32 $0x400  }
0x18: {  	[tilespmem:s5], [sflag:$0x1] =	stream.linear.gather [hbm4b:s6+s4], $0x200, $0x38;
	[tilespmem:$0x2B00] =	vst v63  }
0x19: {  	s7 =	rddreg [dreg:$0x9];
	s8 =	simm.s32 $0x800  }
0x1a: {  	[tilespmem:s8], [sflag:$0x1] =	stream.linear.gather [hbm4b:s7+s4], $0x200, $0x38;
	[tilespmem:$0x2B00] =	vst v63  }
0x1b: {  	s24 =	rddreg [dreg:$0xa];
	s25 =	simm.s32 $0xC00  }
0x1c: {  	[tilespmem:s25], [sflag:$0x1] =	stream.linear.gather [hbm4b:s24+s4], $0x200, $0x38;
	[tilespmem:$0x2B00] =	vst v63  }
0x1d: {  	s26 =	simm.s32 $0x1000  }
0x1e: {  	[tilespmem:s26], [sflag:$0x1] =	stream.linear.gather [hbm4b:s9+s4], $0x200, $0x38;
	[tilespmem:$0x2B00] =	vst v63  }
0x1f: {  	s5 =	simm.s32 $0x200  }
0x20: {  	[tilespmem:s5], [sflag:$0x2] =	stream.linear.gather [hbm4b:s10+s4], $0x200, $0x38;
	[tilespmem:$0x2B00] =	vst v63  }
0x21: {  	s6 =	simm.s32 $0x600  }
0x22: {  	[tilespmem:s6], [sflag:$0x2] =	stream.linear.gather [hbm4b:s11+s4], $0x200, $0x38;
	[tilespmem:$0x2B00] =	vst v63  }
0x23: {  	s7 =	simm.s32 $0xA00  }
0x24: {  	[tilespmem:s7], [sflag:$0x2] =	stream.linear.gather [hbm4b:s12+s4], $0x200, $0x38;
	[tilespmem:$0x2B00] =	vst v63  }
0x25: {  	s8 =	simm.s32 $0xE00  }
0x26: {  	[tilespmem:s8], [sflag:$0x2] =	stream.linear.gather [hbm4b:s13+s4], $0x200, $0x38;
	[tilespmem:$0x2B00] =	vst v63  }
0x27: {  	s24 =	simm.s32 $0x1200  }
0x28: {  	[tilespmem:s24], [sflag:$0x2] =	stream.linear.gather [hbm4b:s14+s4], $0x200, $0x38;
	[tilespmem:$0x2B00] =	vst v63  }
0x29: {  	s3 =	simm.s32 @!p0 $0x0;
	s5 =	simm.s32 @!p0 $0x2880;
	s6 =	rddreg [dreg:$0x4]  }
0x2a: {  	[tilespmem:s5], [sflag:$0x3] =	stream.linear.gather @!p0 [hbm4b:s6+s3], $0x180, $0x38;
	[tilespmem:$0x2B00] =	vst v63  }
0x2b: {  	s3 =	simm.s32 @!p0 $0x3  }
0x2c: {  	_ =	swait.ge @!p0 [sflag:s3], $0x180  }
0x2d: {  	[sflag:s3] =	ssyncset.done @!p0 $0x0  }
0x2e: {  	[sflag:s3] =	ssyncadd.s32 @!p0 $0xFFFFFE80  }
0x2f: {  	[tilespmem:$0x2000] =	vst v1  }
0x30: {  	[tilespmem:$0x2080] =	vst v1  }
0x31: {  	[tilespmem:$0x2100] =	vst v1  }
0x32: {  	[tilespmem:$0x2180] =	vst v1  }
0x33: {  	[tilespmem:$0x2200] =	vst v1  }
0x34: {  	[tilespmem:$0x2280] =	vst v1  }
0x35: {  	[tilespmem:$0x2300] =	vst v1  }
0x36: {  	[tilespmem:$0x2380] =	vst v1  }
0x37: {  	v0 =	vld @!p0 [tilespmem:$0x1FFF0];
	[tilespmem:$0x2400] =	vst v1  }
0x38: {  	[tilespmem:$0x2480] =	vst v1  }
0x39: {  	[tilespmem:$0x2500] =	vst v1  }
0x3a: {  	[tilespmem:$0x2580] =	vst v1  }
0x3b: {  	[tilespmem:$0x2600] =	vst v1  }
0x3c: {  	[tilespmem:$0x2680] =	vst v1  }
0x3d: {  	[tilespmem:$0x2700] =	vst v1  }
0x3e: {  	s3 =	simm.s32 @!p0 $0x2880;
	[tilespmem:$0x2780] =	vst v1  }
0x3f: {  	v3 =	vld.idx.msk @!p0 [tilespmem:v0+s3+$0x0], $0x1ff;
	_ =	sdelay $0x4  }
0x40: {  	(v2sf) =	vpush @!p0 v3, $0x0  }
0x41: {  	(v2sf) =	vpush @!p0 v3, $0x1  }
0x42: {  	(v2sf) =	vpush @!p0 v3, $0x2  }
0x43: {  	(v2sf) =	vpush @!p0 v3, $0x3  }
0x44: {  	(v2sf) =	vpush @!p0 v3, $0x4  }
0x45: {  	(v2sf) =	vpush @!p0 v3, $0x5  }
0x46: {  	(v2sf) =	vpush @!p0 v3, $0x6  }
0x47: {  	(v2sf) =	vpush @!p0 v3, $0x7;
	_ =	sdelay $0x1  }
0x48: {  	(v2sf) =	vpush @!p0 v3, $0x8;
	_ =	sdelay $0x5  }
0x49: {  	s3 =	spop @!p0 (v2sf)  }
0x4a: {  	s5 =	spop @!p0 (v2sf)  }
0x4b: {  	s6 =	spop @!p0 (v2sf)  }
0x4c: {  	s7 =	spop @!p0 (v2sf)  }
0x4d: {  	s8 =	spop @!p0 (v2sf)  }
0x4e: {  	s24 =	spop @!p0 (v2sf)  }
0x4f: {  	s25 =	spop @!p0 (v2sf)  }
0x50: {  	s26 =	spop @!p0 (v2sf)  }
0x51: {  	s30 =	smul.f32 @!p0 s26, s24  }
0x52: {  	s28 =	spop @!p0 (v2sf);
	s24 =	smul.f32 @!p0 s25, s24  }
0x53: {  	s29 =	smul.f32 @!p0 s28, s8  }
0x54: {  	s28 =	smul.f32 @!p0 s28, s7  }
0x55: {  	s7 =	smul.f32 @!p0 s26, s7;
	s29 =	ssub.f32 @!p0 s29, s30  }
0x56: {  	s8 =	smul.f32 @!p0 s25, s8;
	s24 =	ssub.f32 @!p0 s28, s24  }
0x57: {  	s3 =	smul.f32 @!p0 s29, s3  }
0x58: {  	s7 =	ssub.f32 @!p0 s7, s8;
	s5 =	smul.f32 @!p0 s24, s5  }
0x59: {  	_ = 	snop  }
0x5a: {  	s3 =	ssub.f32 @!p0 s3, s5;
	s5 =	smul.f32 @!p0 s7, s6  }
0x5b: {  	_ = 	snop  }
0x5c: {  	s3 =	sadd.f32 @!p0 s3, s5;
	_ =	sdelay $0x1  }
0x5d: {  	s3 =	sand.u32 @!p0 $0x7FFFFFFF, s3  }
0x5e: {  	s3 =	sadd.f32 @!p0 $1.000000000e+00, s3;
	_ =	sdelay $0x1  }
0x5f: {  	v3 =	vmov @!p0 s3  }
0x60: {  	v3 =	vsub.s32 @!p0 $0x7EF311C3, v3  }
0x61: {  	v4 =	vmul.f32 @!p0 s3, v3;
	_ =	sdelay $0x1  }
0x62: {  	v4 =	vsub.f32 @!p0 $2.000000000e+00, v4;
	_ =	sdelay $0x1  }
0x63: {  	v3 =	vmul.f32 @!p0 v3, v4;
	_ =	sdelay $0x1  }
0x64: {  	v4 =	vmul.f32 @!p0 s3, v3;
	_ =	sdelay $0x1  }
0x65: {  	v4 =	vsub.f32 @!p0 $2.000000000e+00, v4;
	_ =	sdelay $0x1  }
0x66: {  	v3 =	vmul.f32 @!p0 v4, v3;
	_ =	sdelay $0x1  }
0x67: {  	v4 =	vmul.f32 @!p0 s3, v3;
	_ =	sdelay $0x1  }
0x68: {  	v4 =	vsub.f32 @!p0 $2.000000000e+00, v4;
	_ =	sdelay $0x1  }
0x69: {  	v3 =	vmul.f32 @!p0 v4, v3;
	_ =	sdelay $0x1  }
0x6a: {  	v3 =	vmul.f32 @!p0 $9.999999770e-03, v3;
	_ =	sdelay $0x1  }
0x6b: {  	s5 =	simm.s32 @!p0 $0x2A80;
	s3 =	rddreg @!p0 [dreg:$0x5];
	[tilespmem:$0x2A80] =	vst @!p0 v3  }
0x6c: {  	[hbm4b:s3+s4] =	stream.linear.scatter @!p0 [tilespmem:s5], [sflag:$0x3], $0x80, $0x38;
	[tilespmem:$0x2B00] =	vst v63  }
0x6d: {  	s3 =	simm.s32 @!p0 $0x3  }
0x6e: {  	_ =	swait.ge @!p0 [sflag:s3], $0x80  }
0x6f: {  	[sflag:s3] =	ssyncset.done @!p0 $0x0  }
0x70: {  	[sflag:s3] =	ssyncadd.s32 @!p0 $0xFFFFFF80  }
0x71: {  	_ =	swait.ge [sflag:s2], $0x200  }
0x72: {  	[sflag:s2] =	ssyncset.done $0x0  }
0x73: {  	[sflag:s2] =	ssyncadd.s32 $0xFFFFFE00  }
0x74: {  	_ =	swait.ge [sflag:s2], $0x200  }
0x75: {  	[sflag:s2] =	ssyncset.done $0x0  }
0x76: {  	[sflag:s2] =	ssyncadd.s32 $0xFFFFFE00  }
0x77: {  	_ =	swait.ge [sflag:s2], $0x200  }
0x78: {  	[sflag:s2] =	ssyncset.done $0x0  }
0x79: {  	[sflag:s2] =	ssyncadd.s32 $0xFFFFFE00  }
0x7a: {  	_ =	swait.ge [sflag:s2], $0x200  }
0x7b: {  	[sflag:s2] =	ssyncset.done $0x0  }
0x7c: {  	[sflag:s2] =	ssyncadd.s32 $0xFFFFFE00  }
0x7d: {  	_ =	swait.ge [sflag:s2], $0x200  }
0x7e: {  	[sflag:s2] =	ssyncset.done $0x0  }
0x7f: {  	s25 =	simm.s32 $0xC20;
	[sflag:s2] =	ssyncadd.s32 $0xFFFFFE00  }
0x80: {  	v3 =	vld [tilespmem:s25+$0xFFFFFFF0]  }
0x81: {  	s26 =	simm.s32 $0x420;
	v5 =	vld [tilespmem:s25+$0x10]  }
0x82: {  	v6 =	vld [tilespmem:s26+$0x10]  }
0x83: {  	s7 =	simm.s32 $0x820;
	v7 =	vld [tilespmem:s26+$0xFFFFFFE0]  }
0x84: {  	s8 =	simm.s32 $0x20;
	v27 =	vld [tilespmem:s7+$0x0]  }
0x85: {  	v8 =	vld [tilespmem:s8+$0xFFFFFFF0]  }
0x86: {  	v4 =	vld [tilespmem:s25+$0xFFFFFFE0]  }
0x87: {  	v10 =	vld [tilespmem:s7+$0x10]  }
0x88: {  	v11 =	vld [tilespmem:s7+$0xFFFFFFF0]  }
0x89: {  	v35 =	vld [tilespmem:s26+$0x0]  }
0x8a: {  	v13 =	vld [tilespmem:s8+$0x10]  }
0x8b: {  	v33 =	vld [tilespmem:s8+$0x0]  }
0x8c: {  	v30 =	vld [tilespmem:s8+$0xFFFFFFE0];
	v3 =	vcvt.s32.f32 v3  }
0x8d: {  	s24 =	simm.s32 $0x460;
	v14 =	vld [tilespmem:s26+$0xFFFFFFF0];
	v4 =	vcvt.s32.f32 v4;
	v5 =	vcvt.s32.f32 v5  }
0x8e: {  	v45 =	vld [tilespmem:s24+$0xFFFFFFE0];
	v12 =	vmul.f32 v10, v10;
	v16 =	vmul.f32 v11, v11  }
0x8f: {  	v17 =	vmul.f32 v27, v27;
	v18 =	vmul.f32 v35, v35  }
0x90: {  	v9 =	vld [tilespmem:s7+$0xFFFFFFE0];
	v19 =	vmul.f32 v13, v13;
	v20 =	vmul.f32 v7, v7  }
0x91: {  	v21 =	vmul.f32 v6, v6;
	v22 =	vmul.f32 v33, v33  }
0x92: {  	v23 =	vmul.f32 v30, v30;
	v25 =	vmul.f32 v14, v14  }
0x93: {  	v26 =	vmul.f32 v8, v8;
	v61 =	vmul.f32 v45, v45  }
0x94: {  	v15 =	vmul.f32 $-1.000000010e-01, v3;
	v24 =	vmul.f32 $-1.000000010e-01, v4;
	v19 =	vadd.f32 v21, v19  }
0x95: {  	v18 =	vadd.f32 v18, v22;
	v21 =	vmul.f32 v9, v9;
	v31 =	vmul.f32 $-1.000000010e-01, v5  }
0x96: {  	v20 =	vadd.f32 v20, v23;
	v34 =	vmul.f32 v24, v9;
	v37 =	vmul.f32 v15, v14  }
0x97: {  	s8 =	simm.s32 $0xC60;
	v14 =	vadd.f32 v25, v26;
	v9 =	vadd.f32 v12, v19;
	v25 =	vmul.f32 v15, v8  }
0x98: {  	s3 =	simm.s32 $0x1020;
	v22 =	vld [tilespmem:s8+$0xFFFFFFF0];
	v8 =	vadd.f32 v21, v20;
	v40 =	vmul.f32 v24, v7;
	v42 =	vmul.f32 v15, v11  }
0x99: {  	v38 =	vld [tilespmem:s3+$0xFFFFFFE0];
	v39 =	vadd.f32 v17, v18;
	v47 =	vmul.f32 v31, v13;
	v48 =	vmul.f32 v31, v6  }
0x9a: {  	v32 =	vld [tilespmem:s3+$0x0];
	v49 =	vmul.f32 v31, v10;
	v12 =	vadd.f32 v16, v14;
	v7 =	vshra.s32 v9, $0x1  }
0x9b: {  	s5 =	simm.s32 $0x1060;
	v20 =	vld [tilespmem:s25+$0x0];
	v16 =	vshra.s32 v39, $0x1;
	v14 =	vmul.f32 $5.000000000e-01, v8;
	v41 =	vmul.f32 $5.000000000e-01, v9  }
0x9c: {  	v43 =	vld [tilespmem:s5+$0x10];
	s25 =	simm.s32 $0x860;
	v18 =	vmul.f32 $5.000000000e-01, v39;
	v11 =	vshra.s32 v8, $0x1;
	v16 =	vsub.s32 $0x5F3759DF, v16  }
0x9d: {  	v51 =	vld [tilespmem:s25+$0xFFFFFFF0];
	v44 =	vsub.s32 $0x5F3759DF, v7;
	v6 =	vcvt.s32.f32 v22;
	v17 =	vshra.s32 v12, $0x1  }
0x9e: {  	s26 =	simm.s32 $0x60;
	v56 =	vld [tilespmem:s24+$0xFFFFFFF0];
	v15 =	vmul.f32 $5.000000000e-01, v12;
	v28 =	vmul.f32 v44, v41;
	v26 =	vsub.s32 $0x5F3759DF, v17  }
0x9f: {  	v57 =	vld [tilespmem:s26+$0xFFFFFFF0];
	v17 =	vsub.s32 $0x5F3759DF, v11;
	v11 =	vmul.f32 v16, v18;
	v53 =	vmul.f32 $-1.000000010e-01, v6  }
0xa0: {  	v23 =	vld [tilespmem:s8+$0x10];
	v31 =	vcvt.s32.f32 v20;
	v7 =	vmul.f32 v26, v15  }
0xa1: {  	v19 =	vld [tilespmem:s3+$0x10];
	v21 =	vmul.f32 v17, v14;
	v29 =	vmul.f32 v16, v11  }
0xa2: {  	v46 =	vmul.f32 v44, v28;
	v58 =	vmul.f32 v51, v51;
	v11 =	vld [tilespmem:s25+$0x0]  }
0xa3: {  	v36 =	vmul.f32 v17, v21;
	v28 =	vmul.f32 v26, v7;
	v7 =	vsub.f32 $1.500000000e+00, v29;
	v29 =	vld [tilespmem:s8+$0xFFFFFFE0]  }
0xa4: {  	v63 =	vmul.f32 v53, v56;
	v0 =	vmul.f32 $-1.000000010e-01, v31;
	v21 =	vld [tilespmem:s25+$0x10];
	v46 =	vsub.f32 $1.500000000e+00, v46  }
0xa5: {  	v56 =	vmul.f32 v56, v56;
	v13 =	vsub.f32 $1.500000000e+00, v36;
	v36 =	vld [tilespmem:s26+$0x10];
	v50 =	vmul.f32 v16, v7  }
0xa6: {  	v44 =	vmul.f32 v44, v46;
	v7 =	vcvt.s32.f32 v23;
	v16 =	vld [tilespmem:s26+$0x0]  }
0xa7: {  	v23 =	vmul.f32 v17, v13;
	v17 =	vld [tilespmem:s24+$0x0];
	v13 =	vmul.f32 v50, v18  }
0xa8: {  	v52 =	vld [tilespmem:s25+$0xFFFFFFE0];
	v59 =	vmul.f32 v11, v11;
	v10 =	vcvt.s32.f32 v29  }
0xa9: {  	v22 =	vld [tilespmem:s26+$0xFFFFFFE0];
	v55 =	vmul.f32 v21, v21;
	v54 =	vmul.f32 v13, v50;
	v13 =	vsub.f32 $1.500000000e+00, v28  }
0xaa: {  	s7 =	simm.s32 $0x1420;
	v28 =	vld [tilespmem:s24+$0x10];
	v60 =	vmul.f32 v36, v36;
	v18 =	vmul.f32 $-1.000000010e-01, v10  }
0xab: {  	[tilespmem:s7+$0x10] =	vst v47;
	v62 =	vmul.f32 v16, v16;
	v29 =	vmul.f32 v26, v13  }
0xac: {  	s25 =	simm.s32 $0x1820;
	v13 =	vadd.s32 v2, v43;
	v43 =	vmul.f32 v17, v17;
	v26 =	vld [tilespmem:s3+$0xFFFFFFF0];
	v54 =	vsub.f32 $1.500000000e+00, v54;
	[tilespmem:s7+$0xFFFFFFF0] =	vst v25  }
0xad: {  	v20 =	vadd.s32 v2, v19;
	s26 =	simm.s32 $0x1C20;
	v19 =	vmul.f32 v18, v52;
	[tilespmem:s25+$0xFFFFFFF0] =	vst v37;
	v37 =	vmul.f32 v53, v57  }
0xae: {  	v32 =	vadd.s32 v2, v32;
	[tilespmem:s26+$0xFFFFFFF0] =	vst v42;
	v42 =	vmul.f32 v24, v30;
	v47 =	vmul.f32 v54, v50  }
0xaf: {  	v25 =	vadd.s32 v2, v38;
	v54 =	vmul.f32 v22, v22;
	v24 =	vmul.f32 v28, v28  }
0xb0: {  	[tilespmem:s25+$0x10] =	vst v48;
	v43 =	vadd.f32 v43, v62;
	v30 =	vmul.f32 v18, v45;
	v45 =	vmul.f32 v57, v57  }
0xb1: {  	s24 =	simm.s32 $0x1460;
	[tilespmem:s7+$0xFFFFFFE0] =	vst v42;
	v57 =	vadd.f32 v24, v60;
	v60 =	vadd.f32 v61, v54;
	v61 =	vmul.f32 v52, v52  }
0xb2: {  	s28 =	simm.s32 $0x1860;
	v62 =	vmul.f32 v0, v35;
	v56 =	vadd.f32 v56, v45;
	v45 =	vmul.f32 v47, v39;
	v24 =	vld [tilespmem:s5+$0xFFFFFFF0];
	[tilespmem:s24+$0xFFFFFFF0] =	vst v37  }
0xb3: {  	[tilespmem:s28+$0xFFFFFFF0] =	vst v63;
	v63 =	vmul.f32 v44, v41;
	v38 =	vadd.f32 v55, v57;
	v37 =	vadd.f32 v61, v60  }
0xb4: {  	[tilespmem:s25+$0xFFFFFFE0] =	vst v40;
	v57 =	vmul.f32 v0, v27;
	v27 =	vadd.f32 v59, v43;
	v0 =	vmul.f32 v0, v33  }
0xb5: {  	[tilespmem:s26+$0xFFFFFFE0] =	vst v34;
	v33 =	vadd.f32 v58, v56;
	v59 =	vshra.s32 v38, $0x1;
	v42 =	vmul.f32 $5.000000000e-01, v37  }
0xb6: {  	v60 =	vshra.s32 v27, $0x1;
	v34 =	vmul.f32 $5.000000000e-01, v38;
	[tilespmem:s7+$0x0] =	vst v0;
	v0 =	vmul.f32 v53, v51  }
0xb7: {  	s31 =	simm.s32 $0x14A0;
	[tilespmem:s26+$0x10] =	vst v49;
	v39 =	vld [tilespmem:s5+$0xFFFFFFE0];
	v61 =	vshra.s32 v33, $0x1;
	v43 =	vmul.f32 $5.000000000e-01, v33;
	v46 =	vmul.f32 $5.000000000e-01, v27  }
0xb8: {  	s30 =	simm.s32 $0x1C60;
	s6 =	simm.s32 $0xCA0;
	s3 =	simm.s32 $0x10A0;
	v47 =	vld [tilespmem:s8+$0x0];
	v53 =	vmul.f32 v63, v44;
	v40 =	vsub.s32 $0x5F3759DF, v61;
	[tilespmem:s25+$0x0] =	vst v62;
	v62 =	vshra.s32 v37, $0x1  }
0xb9: {  	s8 =	simm.s32 $0x4A0;
	v41 =	vld [tilespmem:s5+$0x0];
	s5 =	simm.s32 $0xA0;
	s7 =	simm.s32 $0x8A0;
	v35 =	vsub.s32 $0x5F3759DF, v59;
	[tilespmem:s26+$0x0] =	vst v57;
	v48 =	vsub.s32 $0x5F3759DF, v62;
	v50 =	vmul.f32 v40, v43  }
0xba: {  	s29 =	simm.s32 $0x4;
	v49 =	vsub.s32 $0x5F3759DF, v60;
	s25 =	simm.s32 $0x1C60;
	v51 =	vmul.f32 v35, v34;
	[tilespmem:s30+$0xFFFFFFF0] =	vst v0;
	s26 =	simm.s32 $0x1860;
	v52 =	vmul.f32 v48, v42  }
.LBB2_2:
0xbb: {  	v0 =	vld [tilespmem:s6+$0xFFFFFFF0];
	s29 =	sadd.s32 $0x4, s29;
	v54 =	vmul.f32 v49, v46;
	v55 =	vmul.f32 $-1.000000010e-01, v7;
	s30 =	sadd.s32 $0x40, s30;
	s28 =	sadd.s32 $0x40, s28  }
0xbc: {  	v51 =	vmul.f32 v35, v51;
	v56 =	vld [tilespmem:s3+$0x10];
	p1 =	slt.u32 s29, $0x1C;
	v52 =	vmul.f32 v48, v52;
	v53 =	vsub.f32 $1.500000000e+00, v53  }
0xbd: {  	v50 =	vmul.f32 v40, v50;
	v57 =	vld [tilespmem:s6+$0x10];
	v54 =	vmul.f32 v49, v54  }
0xbe: {  	v36 =	vmul.f32 v55, v36;
	v58 =	vmul.f32 v55, v28;
	v52 =	vsub.f32 $1.500000000e+00, v52;
	v28 =	vld [tilespmem:s8+$0x10]  }
0xbf: {  	v60 =	vmul.f32 v23, v14;
	v14 =	vmovc v42;
	v50 =	vsub.f32 $1.500000000e+00, v50;
	v44 =	vmul.f32 v53, v44;
	v59 =	vld [tilespmem:s8+$0xFFFFFFE0]  }
0xc0: {  	v45 =	vmul.f32 v31, v45;
	v53 =	vsub.f32 $1.500000000e+00, v54;
	v42 =	vld [tilespmem:s7+$0x0];
	[tilespmem:s24+$0x10] =	vst v36;
	v36 =	vmul.f32 v29, v15;
	v15 =	vmovc v43  }
0xc1: {  	v31 =	vmul.f32 v55, v21;
	v55 =	vmul.f32 v60, v23;
	v43 =	vld [tilespmem:s5+$0xFFFFFFF0];
	v54 =	vadd.s32 v2, v56;
	[tilespmem:s26+$0x10] =	vst v58  }
0xc2: {  	v49 =	vmul.f32 v49, v53;
	v21 =	vld [tilespmem:s7+$0x10];
	v56 =	vcvt.s32.f32 v57  }
0xc3: {  	v48 =	vmul.f32 v48, v52;
	v36 =	vmul.f32 v36, v29;
	v53 =	vld [tilespmem:s6+$0xFFFFFFE0];
	[tilespmem:s25+$0x10] =	vst v31;
	v31 =	vsub.f32 $1.500000000e+00, v55  }
0xc4: {  	v0 =	vcvt.s32.f32 v0;
	v46 =	vmul.f32 v49, v46;
	v52 =	vld [tilespmem:s7+$0xFFFFFFF0]  }
0xc5: {  	v44 =	vmul.f32 v44, v9;
	v9 =	vmovc v38;
	v58 =	vsub.f32 $1.500000000e+00, v36;
	v55 =	vld [tilespmem:s7+$0xFFFFFFE0];
	v57 =	vmul.f32 v31, v23;
	v23 =	vmovc v48  }
0xc6: {  	v48 =	vmul.f32 $-1.000000010e-01, v0;
	v38 =	vmul.f32 v46, v49;
	v60 =	vld [tilespmem:s8+$0x0]  }
0xc7: {  	v31 =	vcvt.s32.f32 v47;
	v46 =	vmul.f32 v57, v8;
	[tilespmem:v32+s1+$0x0] =	vst.idx.add.f32.msk $0xffff, v45;
	v8 =	vmov v37  }
0xc8: {  	v29 =	vmul.f32 v58, v29;
	v37 =	vsub.f32 $1.500000000e+00, v38;
	v32 =	vcvt.s32.f32 v53;
	v36 =	vld [tilespmem:s5+$0x10]  }
0xc9: {  	v44 =	vmul.f32 v5, v44;
	v5 =	vmovc v7;
	v7 =	vmov v56;
	v38 =	vmul.f32 v21, v21;
	v47 =	vld [tilespmem:s5+$0x0]  }
0xca: {  	v56 =	vadd.s32 v2, v26;
	v46 =	vmul.f32 v4, v46;
	v4 =	vmovc v10;
	v45 =	vmul.f32 $-1.000000010e-01, v32;
	v53 =	vld [tilespmem:s8+$0xFFFFFFF0];
	v10 =	vmovc v32  }
0xcb: {  	v12 =	vmul.f32 v29, v12;
	v57 =	vmul.f32 v52, v52;
	[tilespmem:v20+s1+$0x0] =	vst.idx.add.f32.msk $0xffff, v44;
	v20 =	vmov v13  }
0xcc: {  	v29 =	vmul.f32 v40, v50;
	v44 =	vmul.f32 v42, v42;
	v13 =	vmov v54;
	[tilespmem:v25+s1+$0x0] =	vst.idx.add.f32.msk $0xffff, v46  }
0xcd: {  	v26 =	vmovc v24;
	v32 =	vadd.s32 v2, v41;
	v40 =	vmul.f32 v45, v55;
	v46 =	vmul.f32 v60, v60  }
0xce: {  	v24 =	vmul.f32 v3, v12;
	v3 =	vmovc v6;
	v25 =	vadd.s32 v2, v39;
	v50 =	vmul.f32 v36, v36;
	v41 =	vld [tilespmem:s5+$0xFFFFFFE0]  }
0xcf: {  	v6 =	vmovc v0;
	v39 =	vmul.f32 v59, v59;
	v12 =	vmov v33;
	v54 =	vmul.f32 v48, v53  }
0xd0: {  	v33 =	vmul.f32 $-1.000000010e-01, v31;
	v0 =	vmul.f32 v47, v47;
	[tilespmem:v56+s1+$0x0] =	vst.idx.add.f32.msk $0xffff, v24  }
0xd1: {  	v53 =	vmul.f32 v53, v53;
	v56 =	vmul.f32 v48, v43  }
0xd2: {  	v58 =	vmul.f32 v18, v22;
	v18 =	vmovc v45;
	v0 =	vadd.f32 v46, v0;
	v46 =	vmul.f32 v28, v28;
	v24 =	vld [tilespmem:s3+$0xFFFFFFF0]  }
0xd3: {  	v51 =	vsub.f32 $1.500000000e+00, v51;
	v49 =	vmul.f32 v37, v49;
	v45 =	vmul.f32 v41, v41;
	[tilespmem:s31+$0xFFFFFFF0] =	vst v56;
	v22 =	vmovc v41  }
0xd4: {  	v37 =	vmul.f32 v43, v43;
	v43 =	vadd.f32 v46, v50;
	v41 =	vmul.f32 v18, v59;
	[tilespmem:s24+$0xFFFFFFE0] =	vst v58  }
0xd5: {  	v39 =	vadd.f32 v39, v45;
	v45 =	vmul.f32 v55, v55;
	[tilespmem:s26+$0xFFFFFFE0] =	vst v30;
	v30 =	vmul.f32 v33, v17  }
0xd6: {  	v50 =	vadd.f32 v53, v37;
	v46 =	vmul.f32 v33, v11;
	v38 =	vadd.f32 v38, v43;
	[tilespmem:s25+$0xFFFFFFE0] =	vst v19  }
0xd7: {  	v0 =	vadd.f32 v44, v0;
	v37 =	vadd.f32 v45, v39;
	[tilespmem:s28+$0xFFFFFFF0] =	vst v54;
	v39 =	vmul.f32 v33, v16  }
0xd8: {  	v44 =	vmul.f32 v35, v51;
	v11 =	vmovc v42;
	v17 =	vmovc v60;
	v43 =	vshra.s32 v38, $0x1;
	v33 =	vadd.f32 v57, v50  }
0xd9: {  	v53 =	vshra.s32 v0, $0x1;
	v19 =	vmovc v40;
	v35 =	vsub.s32 $0x5F3759DF, v43;
	v45 =	vmul.f32 v49, v27;
	v16 =	vmovc v47;
	[tilespmem:s24+$0x0] =	vst v39;
	s24 =	smov.u32 s31  }
.Ltmp0:
0xda: {  	v47 =	vmul.f32 $5.000000000e-01, v38;
	v27 =	vmovc v0;
	v42 =	vmul.f32 $5.000000000e-01, v37;
	v39 =	vshra.s32 v33, $0x1;
	[tilespmem:s26+$0x0] =	vst v30;
	v30 =	vmovc v41;
	s26 =	smov.u32 s28;
	(pc) =	sbr.rel @p1 .LBB2_2-.Ltmp0, $4  }
0xdb: {  	v0 =	vmul.f32 v48, v52;
	v43 =	vmul.f32 $5.000000000e-01, v33;
	v40 =	vsub.s32 $0x5F3759DF, v39;
	[tilespmem:s25+$0x0] =	vst v46;
	s25 =	smov.u32 s30  }
0xdc: {  	v54 =	vmul.f32 v44, v34;
	v34 =	vmovc v47;
	v41 =	vshra.s32 v37, $0x1;
	v46 =	vmul.f32 $5.000000000e-01, v27;
	v39 =	vld [tilespmem:s3+$0xFFFFFFE0]  }
0xdd: {  	s5 =	sadd.s32 $0x40, s5;
	s31 =	sadd.s32 $0x40, s31;
	v51 =	vmul.f32 v35, v34;
	v48 =	vsub.s32 $0x5F3759DF, v41;
	v50 =	vmul.f32 v40, v43;
	[tilespmem:s30+$0xFFFFFFF0] =	vst v0;
	v41 =	vld [tilespmem:s3+$0x0];
	s3 =	sadd.s32 $0x40, s3  }
0xde: {  	s7 =	sadd.s32 $0x40, s7;
	s8 =	sadd.s32 $0x40, s8;
	v49 =	vsub.s32 $0x5F3759DF, v53;
	v53 =	vmul.f32 v54, v44;
	v52 =	vmul.f32 v48, v42;
	v47 =	vld [tilespmem:s6+$0x0];
	s6 =	sadd.s32 $0x40, s6  }
0xdf: {  	v0 =	vmul.f32 v49, v46;
	v54 =	vmul.f32 $-1.000000010e-01, v7  }
0xe0: {  	v51 =	vmul.f32 v35, v51;
	v50 =	vmul.f32 v40, v50  }
0xe1: {  	v14 =	vmul.f32 v23, v14;
	v15 =	vmul.f32 v29, v15  }
0xe2: {  	v31 =	vmul.f32 v31, v45;
	v18 =	vmul.f32 v18, v22  }
0xe3: {  	v52 =	vmul.f32 v48, v52;
	v0 =	vmul.f32 v49, v0  }
0xe4: {  	v53 =	vsub.f32 $1.500000000e+00, v53;
	v36 =	vmul.f32 v54, v36;
	v28 =	vmul.f32 v54, v28  }
0xe5: {  	v14 =	vmul.f32 v14, v23;
	v15 =	vmul.f32 v15, v29;
	v52 =	vsub.f32 $1.500000000e+00, v52  }
0xe6: {  	v21 =	vmul.f32 v54, v21;
	v44 =	vmul.f32 v53, v44;
	v0 =	vsub.f32 $1.500000000e+00, v0  }
0xe7: {  	v14 =	vsub.f32 $1.500000000e+00, v14;
	v15 =	vsub.f32 $1.500000000e+00, v15;
	v58 =	vmul.f32 v48, v52  }
0xe8: {  	v9 =	vmul.f32 v44, v9;
	v0 =	vmul.f32 v49, v0  }
0xe9: {  	v60 =	vsub.f32 $1.500000000e+00, v50;
	v14 =	vmul.f32 v14, v23;
	v15 =	vmul.f32 v15, v29  }
0xea: {  	v29 =	vsub.f32 $1.500000000e+00, v51;
	v5 =	vmul.f32 v5, v9;
	v57 =	vmul.f32 v0, v46  }
0xeb: {  	v8 =	vmul.f32 v14, v8;
	v9 =	vmul.f32 v15, v12  }
0xec: {  	[tilespmem:v32+s1+$0x0] =	vst.idx.add.f32.msk $0xffff, v31;
	v12 =	vmul.f32 v35, v29;
	v14 =	vmul.f32 v40, v60  }
0xed: {  	[tilespmem:s24+$0x10] =	vst v36;
	v23 =	vmul.f32 v57, v0;
	v4 =	vmul.f32 v4, v8;
	v8 =	vadd.s32 v2, v26  }
0xee: {  	[tilespmem:s26+$0x10] =	vst v28;
	v3 =	vmul.f32 v3, v9;
	v9 =	vmul.f32 v12, v34  }
0xef: {  	v59 =	vcvt.s32.f32 v47;
	v15 =	vmul.f32 v58, v42;
	[tilespmem:v20+s1+$0x0] =	vst.idx.add.f32.msk $0xffff, v5  }
0xf0: {  	v20 =	vsub.f32 $1.500000000e+00, v23;
	[tilespmem:v25+s1+$0x0] =	vst.idx.add.f32.msk $0xffff, v4;
	v4 =	vmul.f32 v9, v12;
	v9 =	vmul.f32 v14, v43  }
0xf1: {  	[tilespmem:s25+$0x10] =	vst v21;
	v21 =	vadd.s32 v2, v41;
	v5 =	vmul.f32 $-1.000000010e-01, v59;
	v15 =	vmul.f32 v15, v58  }
0xf2: {  	v0 =	vmul.f32 v20, v0;
	[tilespmem:v8+s1+$0x0] =	vst.idx.add.f32.msk $0xffff, v3;
	v3 =	vsub.f32 $1.500000000e+00, v4;
	v4 =	vmul.f32 v9, v14  }
0xf3: {  	[tilespmem:s24+$0xFFFFFFE0] =	vst v18;
	v8 =	vmul.f32 v5, v17;
	v9 =	vmul.f32 v5, v11;
	v11 =	vsub.f32 $1.500000000e+00, v15  }
0xf4: {  	[tilespmem:s26+$0xFFFFFFE0] =	vst v30;
	v5 =	vmul.f32 v5, v16;
	v3 =	vmul.f32 v3, v12;
	v4 =	vsub.f32 $1.500000000e+00, v4  }
0xf5: {  	[tilespmem:s25+$0xFFFFFFE0] =	vst v19;
	v0 =	vmul.f32 v0, v27;
	v11 =	vmul.f32 v11, v58  }
0xf6: {  	v12 =	vadd.s32 v2, v39;
	[tilespmem:s24+$0x0] =	vst v5;
	v3 =	vmul.f32 v3, v38;
	v4 =	vmul.f32 v4, v14  }
0xf7: {  	[tilespmem:s26+$0x0] =	vst v8;
	v0 =	vmul.f32 v59, v0;
	v8 =	vadd.s32 v2, v24;
	v5 =	vmul.f32 v11, v37  }
0xf8: {  	[tilespmem:s25+$0x0] =	vst v9;
	v3 =	vmul.f32 v7, v3;
	v4 =	vmul.f32 v4, v33  }
0xf9: {  	[tilespmem:v21+s1+$0x0] =	vst.idx.add.f32.msk $0xffff, v0;
	v0 =	vmul.f32 v10, v5  }
0xfa: {  	[tilespmem:v13+s1+$0x0] =	vst.idx.add.f32.msk $0xffff, v3;
	v3 =	vmul.f32 v6, v4  }
0xfb: {  	[tilespmem:v12+s1+$0x0] =	vst.idx.add.f32.msk $0xffff, v0  }
0xfc: {  	[tilespmem:v8+s1+$0x0] =	vst.idx.add.f32.msk $0xffff, v3  }
0xfd: {  	_ =	swait.ge [sflag:s23], $0x200  }
0xfe: {  	[sflag:s23] =	ssyncset.done $0x0  }
0xff: {  	[sflag:s23] =	ssyncadd.s32 $0xFFFFFE00  }
0x100: {  	_ =	swait.ge [sflag:s23], $0x200  }
0x101: {  	[sflag:s23] =	ssyncset.done $0x0  }
0x102: {  	[sflag:s23] =	ssyncadd.s32 $0xFFFFFE00  }
0x103: {  	_ =	swait.ge [sflag:s23], $0x200  }
0x104: {  	[sflag:s23] =	ssyncset.done $0x0  }
0x105: {  	[sflag:s23] =	ssyncadd.s32 $0xFFFFFE00  }
0x106: {  	_ =	swait.ge [sflag:s23], $0x200  }
0x107: {  	[sflag:s23] =	ssyncset.done $0x0  }
0x108: {  	[sflag:s23] =	ssyncadd.s32 $0xFFFFFE00  }
0x109: {  	_ =	swait.ge [sflag:s23], $0x200  }
0x10a: {  	[sflag:s23] =	ssyncset.done $0x0  }
0x10b: {  	s3 =	simm.s32 $0x1400;
	[sflag:s23] =	ssyncadd.s32 $0xFFFFFE00  }
0x10c: {  	[hbm4b:s15+s4] =	stream.linear.scatter [tilespmem:s3], [sflag:$0x1], $0x200, $0x38;
	[tilespmem:$0x2B00] =	vst v63  }
0x10d: {  	s6 =	simm.s32 $0x1800  }
0x10e: {  	[hbm4b:s16+s4] =	stream.linear.scatter [tilespmem:s6], [sflag:$0x1], $0x200, $0x38;
	[tilespmem:$0x2B00] =	vst v63  }
0x10f: {  	s7 =	simm.s32 $0x1C00;
	s5 =	simm.s32 $0xE30  }
0x110: {  	[hbm4b:s17+s4] =	stream.linear.scatter [tilespmem:s7], [sflag:$0x1], $0x200, $0x38;
	[tilespmem:$0x2B00] =	vst v63  }
0x111: {  	v0 =	vld [tilespmem:s5+$0xFFFFFFE0]  }
0x112: {  	s8 =	simm.s32 $0x630;
	v5 =	vld [tilespmem:s5+$0x0]  }
0x113: {  	v6 =	vld [tilespmem:s8+$0x0]  }
0x114: {  	s6 =	simm.s32 $0xA30;
	v7 =	vld [tilespmem:s8+$0xFFFFFFD0]  }
0x115: {  	s7 =	simm.s32 $0x230;
	v27 =	vld [tilespmem:s6+$0xFFFFFFF0]  }
0x116: {  	v8 =	vld [tilespmem:s7+$0xFFFFFFE0]  }
0x117: {  	v4 =	vld [tilespmem:s5+$0xFFFFFFD0]  }
0x118: {  	v10 =	vld [tilespmem:s6+$0x0]  }
0x119: {  	v11 =	vld [tilespmem:s6+$0xFFFFFFE0]  }
0x11a: {  	v35 =	vld [tilespmem:s8+$0xFFFFFFF0]  }
0x11b: {  	v33 =	vld [tilespmem:s7+$0xFFFFFFF0]  }
0x11c: {  	v30 =	vld [tilespmem:s7+$0xFFFFFFD0]  }
0x11d: {  	s25 =	simm.s32 $0xA70;
	v14 =	vld [tilespmem:s8+$0xFFFFFFE0];
	v3 =	vcvt.s32.f32 v0  }
0x11e: {  	s26 =	simm.s32 $0x270;
	v51 =	vld [tilespmem:s25+$0xFFFFFFE0];
	v4 =	vcvt.s32.f32 v4;
	v5 =	vcvt.s32.f32 v5  }
0x11f: {  	s24 =	simm.s32 $0x670;
	v36 =	vld [tilespmem:s26+$0x0];
	v12 =	vmul.f32 v10, v10;
	v15 =	vmul.f32 v11, v11  }
0x120: {  	v45 =	vld [tilespmem:s24+$0xFFFFFFD0];
	v16 =	vmul.f32 v27, v27;
	v17 =	vmul.f32 v35, v35  }
0x121: {  	v9 =	vld [tilespmem:s6+$0xFFFFFFD0];
	v19 =	vmul.f32 v7, v7;
	v20 =	vmul.f32 v6, v6  }
0x122: {  	v0 =	vld [tilespmem:s7+$0x0];
	v21 =	vmul.f32 v33, v33;
	v22 =	vmul.f32 v30, v30  }
0x123: {  	v23 =	vmul.f32 v14, v14;
	v25 =	vmul.f32 v8, v8  }
0x124: {  	v57 =	vmul.f32 v51, v51;
	v59 =	vmul.f32 v36, v36  }
0x125: {  	v60 =	vmul.f32 v45, v45;
	v24 =	vmul.f32 $-1.000000010e-01, v4  }
0x126: {  	v13 =	vmul.f32 $-1.000000010e-01, v3;
	v17 =	vadd.f32 v17, v21;
	v29 =	vmul.f32 $-1.000000010e-01, v5  }
0x127: {  	v19 =	vadd.f32 v19, v22;
	v34 =	vmul.f32 v24, v9;
	v18 =	vmul.f32 v0, v0  }
0x128: {  	v37 =	vmul.f32 v13, v14;
	v14 =	vadd.f32 v23, v25;
	v25 =	vmul.f32 v13, v8  }
0x129: {  	v40 =	vmul.f32 v24, v7;
	v18 =	vadd.f32 v20, v18;
	v20 =	vmul.f32 v9, v9  }
0x12a: {  	s3 =	simm.s32 $0x1230;
	v39 =	vadd.f32 v16, v17;
	v42 =	vmul.f32 v13, v11;
	v48 =	vmul.f32 v29, v6  }
0x12b: {  	v38 =	vld [tilespmem:s3+$0xFFFFFFD0];
	v49 =	vmul.f32 v29, v10;
	v9 =	vadd.f32 v12, v18;
	v8 =	vadd.f32 v20, v19  }
0x12c: {  	v32 =	vld [tilespmem:s3+$0xFFFFFFF0];
	s8 =	simm.s32 $0xE70;
	v16 =	vshra.s32 v39, $0x1;
	v13 =	vmul.f32 $5.000000000e-01, v39;
	v12 =	vadd.f32 v15, v14  }
0x12d: {  	v16 =	vsub.s32 $0x5F3759DF, v16;
	v19 =	vld [tilespmem:s8+$0xFFFFFFE0];
	v7 =	vshra.s32 v9, $0x1;
	v14 =	vmul.f32 $5.000000000e-01, v8  }
0x12e: {  	v52 =	vld [tilespmem:s25+$0xFFFFFFD0];
	v17 =	vshra.s32 v12, $0x1;
	v15 =	vmul.f32 $5.000000000e-01, v12;
	v11 =	vshra.s32 v8, $0x1  }
0x12f: {  	v55 =	vld [tilespmem:s24+$0xFFFFFFE0];
	v41 =	vmul.f32 $5.000000000e-01, v9;
	v26 =	vsub.s32 $0x5F3759DF, v17;
	v17 =	vsub.s32 $0x5F3759DF, v11  }
0x130: {  	v18 =	vld [tilespmem:s5+$0xFFFFFFF0];
	v11 =	vmul.f32 v16, v13;
	v44 =	vsub.s32 $0x5F3759DF, v7;
	v7 =	vmul.f32 v26, v15  }
0x131: {  	v23 =	vld [tilespmem:s8+$0x0];
	v20 =	vmul.f32 v17, v14;
	v21 =	vmul.f32 v44, v41  }
0x132: {  	v28 =	vmul.f32 v16, v11;
	v11 =	vld [tilespmem:s25+$0xFFFFFFF0];
	v6 =	vcvt.s32.f32 v19  }
0x133: {  	v20 =	vmul.f32 v17, v20;
	v46 =	vmul.f32 v44, v21;
	v21 =	vld [tilespmem:s25+$0x0]  }
0x134: {  	v0 =	vmul.f32 v29, v0;
	v62 =	vmul.f32 v26, v7;
	v7 =	vsub.f32 $1.500000000e+00, v28;
	v28 =	vld [tilespmem:s8+$0xFFFFFFD0]  }
0x135: {  	v22 =	vld [tilespmem:s3+$0x0];
	s5 =	simm.s32 $0x1270;
	v31 =	vcvt.s32.f32 v18;
	v53 =	vmul.f32 $-1.000000010e-01, v6;
	v20 =	vsub.f32 $1.500000000e+00, v20  }
0x136: {  	v61 =	vld [tilespmem:s5+$0x0];
	v46 =	vsub.f32 $1.500000000e+00, v46;
	v50 =	vmul.f32 v16, v7;
	v7 =	vcvt.s32.f32 v23  }
0x137: {  	v23 =	vmul.f32 v17, v20;
	v17 =	vld [tilespmem:s24+$0xFFFFFFF0];
	v58 =	vmul.f32 v11, v11  }
0x138: {  	v16 =	vld [tilespmem:s26+$0xFFFFFFF0];
	v44 =	vmul.f32 v44, v46;
	v13 =	vmul.f32 v50, v13  }
0x139: {  	v56 =	vld [tilespmem:s26+$0xFFFFFFE0];
	v47 =	vmul.f32 v21, v21;
	v10 =	vcvt.s32.f32 v28  }
0x13a: {  	v28 =	vld [tilespmem:s24+$0x0];
	v63 =	vmul.f32 v13, v50;
	v13 =	vsub.f32 $1.500000000e+00, v62;
	v62 =	vmul.f32 v53, v55  }
0x13b: {  	v20 =	vadd.s32 v2, v22;
	v22 =	vld [tilespmem:s26+$0xFFFFFFD0];
	v55 =	vmul.f32 v55, v55;
	v18 =	vmul.f32 $-1.000000010e-01, v10  }
0x13c: {  	s7 =	simm.s32 $0x1630;
	v29 =	vmul.f32 v26, v13;
	v13 =	vadd.s32 v2, v61;
	v43 =	vmul.f32 v17, v17  }
0x13d: {  	s25 =	simm.s32 $0x1A30;
	v26 =	vld [tilespmem:s3+$0xFFFFFFE0];
	v54 =	vsub.f32 $1.500000000e+00, v63;
	v61 =	vmul.f32 v16, v16;
	[tilespmem:s7+$0xFFFFFFE0] =	vst v25;
	v63 =	vmul.f32 $-1.000000010e-01, v31  }
0x13e: {  	s26 =	simm.s32 $0x1E30;
	v19 =	vmul.f32 v18, v52;
	[tilespmem:s25+$0xFFFFFFE0] =	vst v37;
	v37 =	vmul.f32 v53, v56  }
0x13f: {  	v32 =	vadd.s32 v2, v32;
	[tilespmem:s26+$0xFFFFFFE0] =	vst v42;
	v42 =	vmul.f32 v24, v30;
	v24 =	vmul.f32 v28, v28  }
0x140: {  	[tilespmem:s7+$0x0] =	vst v0;
	v25 =	vadd.s32 v2, v38;
	v0 =	vmul.f32 v54, v50;
	v54 =	vmul.f32 v22, v22  }
0x141: {  	[tilespmem:s25+$0x0] =	vst v48;
	v56 =	vmul.f32 v56, v56;
	v43 =	vadd.f32 v43, v61;
	v30 =	vmul.f32 v18, v45  }
0x142: {  	[tilespmem:s26+$0x0] =	vst v49;
	s24 =	simm.s32 $0x1670;
	v61 =	vmul.f32 v52, v52;
	v59 =	vadd.f32 v24, v59;
	v60 =	vadd.f32 v60, v54  }
0x143: {  	s28 =	simm.s32 $0x1A70;
	v52 =	vmul.f32 v63, v35;
	v56 =	vadd.f32 v55, v56;
	v24 =	vld [tilespmem:s5+$0xFFFFFFE0];
	[tilespmem:s24+$0xFFFFFFE0] =	vst v37;
	v45 =	vmul.f32 v0, v39  }
0x144: {  	[tilespmem:s28+$0xFFFFFFE0] =	vst v62;
	v62 =	vmul.f32 v53, v51;
	v38 =	vadd.f32 v47, v59;
	v37 =	vadd.f32 v61, v60  }
0x145: {  	[tilespmem:s7+$0xFFFFFFD0] =	vst v42;
	v59 =	vmul.f32 v63, v27;
	v60 =	vmul.f32 v63, v33;
	v33 =	vadd.f32 v57, v56  }
0x146: {  	[tilespmem:s25+$0xFFFFFFD0] =	vst v40;
	v27 =	vadd.f32 v58, v43;
	v63 =	vmul.f32 v44, v41;
	v42 =	vmul.f32 $5.000000000e-01, v37  }
0x147: {  	s30 =	simm.s32 $0x1E70;
	[tilespmem:s26+$0xFFFFFFD0] =	vst v34;
	v61 =	vshra.s32 v38, $0x1;
	v34 =	vmul.f32 $5.000000000e-01, v38;
	v43 =	vmul.f32 $5.000000000e-01, v33  }
0x148: {  	v39 =	vld [tilespmem:s5+$0xFFFFFFD0];
	[tilespmem:s30+$0xFFFFFFE0] =	vst v62;
	v0 =	vshra.s32 v33, $0x1;
	v46 =	vmul.f32 $5.000000000e-01, v27;
	v53 =	vmul.f32 v63, v44  }
0x149: {  	s29 =	simm.s32 $0x24;
	s31 =	simm.s32 $0x16B0;
	s6 =	simm.s32 $0xEB0;
	v41 =	vld [tilespmem:s5+$0xFFFFFFF0];
	[tilespmem:s7+$0xFFFFFFF0] =	vst v60;
	v35 =	vsub.s32 $0x5F3759DF, v61;
	v40 =	vsub.s32 $0x5F3759DF, v0;
	v0 =	vshra.s32 v37, $0x1  }
0x14a: {  	s3 =	simm.s32 $0x12B0;
	s5 =	simm.s32 $0x2B0;
	v47 =	vld [tilespmem:s8+$0xFFFFFFF0];
	s8 =	simm.s32 $0x6B0;
	[tilespmem:s25+$0xFFFFFFF0] =	vst v52;
	v48 =	vsub.s32 $0x5F3759DF, v0;
	v0 =	vshra.s32 v27, $0x1;
	v50 =	vmul.f32 v40, v43  }
0x14b: {  	s7 =	simm.s32 $0xAB0;
	s25 =	simm.s32 $0x1E70;
	v51 =	vmul.f32 v35, v34;
	[tilespmem:s26+$0xFFFFFFF0] =	vst v59;
	s26 =	simm.s32 $0x1A70;
	v52 =	vmul.f32 v48, v42;
	v49 =	vsub.s32 $0x5F3759DF, v0  }
.LBB2_4:
0x14c: {  	v0 =	vld [tilespmem:s6+$0xFFFFFFE0];
	s29 =	sadd.s32 $0x4, s29;
	v54 =	vmul.f32 v49, v46;
	v55 =	vmul.f32 $-1.000000010e-01, v7;
	s30 =	sadd.s32 $0x40, s30;
	s28 =	sadd.s32 $0x40, s28  }
0x14d: {  	v51 =	vmul.f32 v35, v51;
	v56 =	vld [tilespmem:s3+$0x0];
	p1 =	slt.u32 s29, $0x3C;
	v52 =	vmul.f32 v48, v52;
	v53 =	vsub.f32 $1.500000000e+00, v53  }
0x14e: {  	v50 =	vmul.f32 v40, v50;
	v57 =	vld [tilespmem:s6+$0x0];
	v54 =	vmul.f32 v49, v54  }
0x14f: {  	v36 =	vmul.f32 v55, v36;
	v58 =	vmul.f32 v55, v28;
	v52 =	vsub.f32 $1.500000000e+00, v52;
	v28 =	vld [tilespmem:s8+$0x0]  }
0x150: {  	v60 =	vmul.f32 v23, v14;
	v14 =	vmovc v42;
	v50 =	vsub.f32 $1.500000000e+00, v50;
	v44 =	vmul.f32 v53, v44;
	v59 =	vld [tilespmem:s8+$0xFFFFFFD0]  }
0x151: {  	v45 =	vmul.f32 v31, v45;
	v53 =	vsub.f32 $1.500000000e+00, v54;
	v42 =	vld [tilespmem:s7+$0xFFFFFFF0];
	[tilespmem:s24+$0x0] =	vst v36;
	v36 =	vmul.f32 v29, v15;
	v15 =	vmovc v43  }
0x152: {  	v31 =	vmul.f32 v55, v21;
	v55 =	vmul.f32 v60, v23;
	v43 =	vld [tilespmem:s5+$0xFFFFFFE0];
	v54 =	vadd.s32 v2, v56;
	[tilespmem:s26+$0x0] =	vst v58  }
0x153: {  	v49 =	vmul.f32 v49, v53;
	v21 =	vld [tilespmem:s7+$0x0];
	v56 =	vcvt.s32.f32 v57  }
0x154: {  	v48 =	vmul.f32 v48, v52;
	v36 =	vmul.f32 v36, v29;
	v53 =	vld [tilespmem:s6+$0xFFFFFFD0];
	[tilespmem:s25+$0x0] =	vst v31;
	v31 =	vsub.f32 $1.500000000e+00, v55  }
0x155: {  	v0 =	vcvt.s32.f32 v0;
	v46 =	vmul.f32 v49, v46;
	v52 =	vld [tilespmem:s7+$0xFFFFFFE0]  }
0x156: {  	v44 =	vmul.f32 v44, v9;
	v9 =	vmovc v38;
	v58 =	vsub.f32 $1.500000000e+00, v36;
	v55 =	vld [tilespmem:s7+$0xFFFFFFD0];
	v57 =	vmul.f32 v31, v23;
	v23 =	vmovc v48  }
0x157: {  	v48 =	vmul.f32 $-1.000000010e-01, v0;
	v38 =	vmul.f32 v46, v49;
	v60 =	vld [tilespmem:s8+$0xFFFFFFF0]  }
0x158: {  	v31 =	vcvt.s32.f32 v47;
	v46 =	vmul.f32 v57, v8;
	[tilespmem:v32+s1+$0x0] =	vst.idx.add.f32.msk $0xffff, v45;
	v8 =	vmov v37  }
0x159: {  	v29 =	vmul.f32 v58, v29;
	v37 =	vsub.f32 $1.500000000e+00, v38;
	v32 =	vcvt.s32.f32 v53;
	v36 =	vld [tilespmem:s5+$0x0]  }
0x15a: {  	v44 =	vmul.f32 v5, v44;
	v5 =	vmovc v7;
	v7 =	vmov v56;
	v38 =	vmul.f32 v21, v21;
	v47 =	vld [tilespmem:s5+$0xFFFFFFF0]  }
0x15b: {  	v56 =	vadd.s32 v2, v26;
	v46 =	vmul.f32 v4, v46;
	v4 =	vmovc v10;
	v45 =	vmul.f32 $-1.000000010e-01, v32;
	v53 =	vld [tilespmem:s8+$0xFFFFFFE0];
	v10 =	vmovc v32  }
0x15c: {  	v12 =	vmul.f32 v29, v12;
	v57 =	vmul.f32 v52, v52;
	[tilespmem:v20+s1+$0x0] =	vst.idx.add.f32.msk $0xffff, v44;
	v20 =	vmov v13  }
0x15d: {  	v29 =	vmul.f32 v40, v50;
	v44 =	vmul.f32 v42, v42;
	v13 =	vmov v54;
	[tilespmem:v25+s1+$0x0] =	vst.idx.add.f32.msk $0xffff, v46  }
0x15e: {  	v26 =	vmovc v24;
	v32 =	vadd.s32 v2, v41;
	v40 =	vmul.f32 v45, v55;
	v46 =	vmul.f32 v60, v60  }
0x15f: {  	v24 =	vmul.f32 v3, v12;
	v3 =	vmovc v6;
	v25 =	vadd.s32 v2, v39;
	v50 =	vmul.f32 v36, v36;
	v41 =	vld [tilespmem:s5+$0xFFFFFFD0]  }
0x160: {  	v6 =	vmovc v0;
	v39 =	vmul.f32 v59, v59;
	v12 =	vmov v33;
	v54 =	vmul.f32 v48, v53  }
0x161: {  	v33 =	vmul.f32 $-1.000000010e-01, v31;
	v0 =	vmul.f32 v47, v47;
	[tilespmem:v56+s1+$0x0] =	vst.idx.add.f32.msk $0xffff, v24  }
0x162: {  	v53 =	vmul.f32 v53, v53;
	v56 =	vmul.f32 v48, v43  }
0x163: {  	v58 =	vmul.f32 v18, v22;
	v18 =	vmovc v45;
	v0 =	vadd.f32 v46, v0;
	v46 =	vmul.f32 v28, v28;
	v24 =	vld [tilespmem:s3+$0xFFFFFFE0]  }
0x164: {  	v51 =	vsub.f32 $1.500000000e+00, v51;
	v49 =	vmul.f32 v37, v49;
	v45 =	vmul.f32 v41, v41;
	[tilespmem:s31+$0xFFFFFFE0] =	vst v56;
	v22 =	vmovc v41  }
0x165: {  	v37 =	vmul.f32 v43, v43;
	v43 =	vadd.f32 v46, v50;
	v41 =	vmul.f32 v18, v59;
	[tilespmem:s24+$0xFFFFFFD0] =	vst v58  }
0x166: {  	v39 =	vadd.f32 v39, v45;
	v45 =	vmul.f32 v55, v55;
	[tilespmem:s26+$0xFFFFFFD0] =	vst v30;
	v30 =	vmul.f32 v33, v17  }
0x167: {  	v50 =	vadd.f32 v53, v37;
	v46 =	vmul.f32 v33, v11;
	v38 =	vadd.f32 v38, v43;
	[tilespmem:s25+$0xFFFFFFD0] =	vst v19  }
0x168: {  	v0 =	vadd.f32 v44, v0;
	v37 =	vadd.f32 v45, v39;
	[tilespmem:s28+$0xFFFFFFE0] =	vst v54;
	v39 =	vmul.f32 v33, v16  }
0x169: {  	v44 =	vmul.f32 v35, v51;
	v11 =	vmovc v42;
	v17 =	vmovc v60;
	v43 =	vshra.s32 v38, $0x1;
	v33 =	vadd.f32 v57, v50  }
0x16a: {  	v53 =	vshra.s32 v0, $0x1;
	v19 =	vmovc v40;
	v35 =	vsub.s32 $0x5F3759DF, v43;
	v45 =	vmul.f32 v49, v27;
	v16 =	vmovc v47;
	[tilespmem:s24+$0xFFFFFFF0] =	vst v39;
	s24 =	smov.u32 s31  }
.Ltmp1:
0x16b: {  	v47 =	vmul.f32 $5.000000000e-01, v38;
	v27 =	vmovc v0;
	v42 =	vmul.f32 $5.000000000e-01, v37;
	v39 =	vshra.s32 v33, $0x1;
	[tilespmem:s26+$0xFFFFFFF0] =	vst v30;
	v30 =	vmovc v41;
	s26 =	smov.u32 s28;
	(pc) =	sbr.rel @p1 .LBB2_4-.Ltmp1, $4  }
0x16c: {  	v0 =	vmul.f32 v48, v52;
	v43 =	vmul.f32 $5.000000000e-01, v33;
	v40 =	vsub.s32 $0x5F3759DF, v39;
	[tilespmem:s25+$0xFFFFFFF0] =	vst v46;
	s25 =	smov.u32 s30  }
0x16d: {  	v54 =	vmul.f32 v44, v34;
	v34 =	vmovc v47;
	v41 =	vshra.s32 v37, $0x1;
	v46 =	vmul.f32 $5.000000000e-01, v27;
	v39 =	vld [tilespmem:s3+$0xFFFFFFD0]  }
0x16e: {  	s5 =	sadd.s32 $0x40, s5;
	s31 =	sadd.s32 $0x40, s31;
	v51 =	vmul.f32 v35, v34;
	v48 =	vsub.s32 $0x5F3759DF, v41;
	v50 =	vmul.f32 v40, v43;
	[tilespmem:s30+$0xFFFFFFE0] =	vst v0;
	v41 =	vld [tilespmem:s3+$0xFFFFFFF0];
	s3 =	sadd.s32 $0x40, s3  }
0x16f: {  	s7 =	sadd.s32 $0x40, s7;
	s8 =	sadd.s32 $0x40, s8;
	v49 =	vsub.s32 $0x5F3759DF, v53;
	v53 =	vmul.f32 v54, v44;
	v52 =	vmul.f32 v48, v42;
	v47 =	vld [tilespmem:s6+$0xFFFFFFF0];
	s6 =	sadd.s32 $0x40, s6  }
0x170: {  	v0 =	vmul.f32 v49, v46  }
0x171: {  	v54 =	vmul.f32 $-1.000000010e-01, v7;
	v51 =	vmul.f32 v35, v51  }
0x172: {  	v50 =	vmul.f32 v40, v50;
	v14 =	vmul.f32 v23, v14  }
0x173: {  	v15 =	vmul.f32 v29, v15;
	v31 =	vmul.f32 v31, v45  }
0x174: {  	v18 =	vmul.f32 v18, v22;
	v52 =	vmul.f32 v48, v52  }
0x175: {  	v0 =	vmul.f32 v49, v0;
	v36 =	vmul.f32 v54, v36  }
0x176: {  	v53 =	vsub.f32 $1.500000000e+00, v53;
	v28 =	vmul.f32 v54, v28;
	v14 =	vmul.f32 v14, v23  }
0x177: {  	v15 =	vmul.f32 v15, v29;
	v21 =	vmul.f32 v54, v21  }
0x178: {  	v60 =	vsub.f32 $1.500000000e+00, v51;
	v52 =	vsub.f32 $1.500000000e+00, v52;
	v44 =	vmul.f32 v53, v44  }
0x179: {  	v0 =	vsub.f32 $1.500000000e+00, v0;
	v14 =	vsub.f32 $1.500000000e+00, v14;
	v59 =	vcvt.s32.f32 v47  }
0x17a: {  	v15 =	vsub.f32 $1.500000000e+00, v15;
	v63 =	vmul.f32 v35, v60;
	v57 =	vmul.f32 v48, v52  }
0x17b: {  	v61 =	vsub.f32 $1.500000000e+00, v50;
	v9 =	vmul.f32 v44, v9;
	v0 =	vmul.f32 v49, v0  }
0x17c: {  	v14 =	vmul.f32 v14, v23;
	v15 =	vmul.f32 v15, v29  }
0x17d: {  	v29 =	vmul.f32 v40, v61;
	v34 =	vmul.f32 v63, v34  }
0x17e: {  	[tilespmem:s24+$0x0] =	vst v36;
	v35 =	vmul.f32 $-1.000000010e-01, v59;
	v5 =	vmul.f32 v5, v9  }
0x17f: {  	[tilespmem:s26+$0x0] =	vst v28;
	v28 =	vadd.s32 v2, v26;
	v36 =	vmul.f32 v57, v42;
	v56 =	vmul.f32 v0, v46  }
0x180: {  	[tilespmem:v32+s1+$0x0] =	vst.idx.add.f32.msk $0xffff, v31;
	v8 =	vmul.f32 v14, v8;
	v62 =	vmul.f32 v15, v12  }
0x181: {  	[tilespmem:s24+$0xFFFFFFD0] =	vst v18;
	v42 =	vmul.f32 v34, v63;
	v58 =	vmul.f32 v56, v0  }
0x182: {  	v45 =	vadd.s32 v2, v41;
	[tilespmem:s26+$0xFFFFFFD0] =	vst v30;
	v43 =	vmul.f32 v29, v43;
	v3 =	vmul.f32 v3, v62  }
0x183: {  	[tilespmem:s25+$0xFFFFFFD0] =	vst v19;
	v48 =	vmul.f32 v35, v17;
	v15 =	vmul.f32 v36, v57;
	v40 =	vsub.f32 $1.500000000e+00, v58  }
0x184: {  	v4 =	vmul.f32 v4, v8;
	v47 =	vmul.f32 v43, v29;
	[tilespmem:v28+s1+$0x0] =	vst.idx.add.f32.msk $0xffff, v3;
	v3 =	vsub.f32 $1.500000000e+00, v42  }
0x185: {  	v49 =	vmul.f32 v35, v11;
	[tilespmem:v20+s1+$0x0] =	vst.idx.add.f32.msk $0xffff, v5;
	v50 =	vsub.f32 $1.500000000e+00, v15;
	v0 =	vmul.f32 v40, v0  }
0x186: {  	v5 =	vmul.f32 v35, v16;
	[tilespmem:v25+s1+$0x0] =	vst.idx.add.f32.msk $0xffff, v4;
	v4 =	vsub.f32 $1.500000000e+00, v47;
	v3 =	vmul.f32 v3, v63  }
0x187: {  	[tilespmem:s25+$0x0] =	vst v21;
	v11 =	vmul.f32 v50, v57;
	v0 =	vmul.f32 v0, v27  }
0x188: {  	v51 =	vadd.s32 v2, v39;
	[tilespmem:s24+$0xFFFFFFF0] =	vst v5;
	v4 =	vmul.f32 v4, v29;
	v3 =	vmul.f32 v3, v38  }
0x189: {  	v53 =	vadd.s32 v2, v24;
	[tilespmem:s26+$0xFFFFFFF0] =	vst v48;
	v52 =	vmul.f32 v11, v37;
	v0 =	vmul.f32 v59, v0  }
0x18a: {  	[tilespmem:s25+$0xFFFFFFF0] =	vst v49;
	v4 =	vmul.f32 v4, v33;
	v3 =	vmul.f32 v7, v3  }
0x18b: {  	[tilespmem:v45+s1+$0x0] =	vst.idx.add.f32.msk $0xffff, v0;
	v0 =	vmul.f32 v10, v52  }
0x18c: {  	[tilespmem:v13+s1+$0x0] =	vst.idx.add.f32.msk $0xffff, v3;
	v3 =	vmul.f32 v6, v4  }
0x18d: {  	[tilespmem:v51+s1+$0x0] =	vst.idx.add.f32.msk $0xffff, v0  }
0x18e: {  	[tilespmem:v53+s1+$0x0] =	vst.idx.add.f32.msk $0xffff, v3  }
0x18f: {  	v0 =	vld [tilespmem:$0x2000]  }
0x190: {  	v3 =	vld [tilespmem:$0x2080];
	_ =	sdelay $0x1  }
0x191: {  	v54 =	vld [tilespmem:$0x2100];
	_ =	sdelay $0x1  }
0x192: {  	v55 =	vld [tilespmem:$0x2180]  }
0x193: {  	v0 =	vadd.f32 v3, v0  }
0x194: {  	v3 =	vld [tilespmem:$0x2200]  }
0x195: {  	v0 =	vadd.f32 v54, v0  }
0x196: {  	v56 =	vld [tilespmem:$0x2280]  }
0x197: {  	v0 =	vadd.f32 v55, v0  }
0x198: {  	v57 =	vld [tilespmem:$0x2300]  }
0x199: {  	v0 =	vadd.f32 v3, v0  }
0x19a: {  	v3 =	vld [tilespmem:$0x2380]  }
0x19b: {  	v0 =	vadd.f32 v56, v0  }
0x19c: {  	v58 =	vld [tilespmem:$0x2400]  }
0x19d: {  	v0 =	vadd.f32 v57, v0  }
0x19e: {  	v59 =	vld [tilespmem:$0x2480]  }
0x19f: {  	v0 =	vadd.f32 v3, v0  }
0x1a0: {  	v3 =	vld [tilespmem:$0x2500]  }
0x1a1: {  	v0 =	vadd.f32 v58, v0  }
0x1a2: {  	v60 =	vld [tilespmem:$0x2580]  }
0x1a3: {  	v0 =	vadd.f32 v59, v0  }
0x1a4: {  	v61 =	vld [tilespmem:$0x2600]  }
0x1a5: {  	v0 =	vadd.f32 v3, v0  }
0x1a6: {  	v3 =	vld [tilespmem:$0x2680]  }
0x1a7: {  	v0 =	vadd.f32 v60, v0  }
0x1a8: {  	v62 =	vld [tilespmem:$0x2700]  }
0x1a9: {  	v0 =	vadd.f32 v61, v0  }
0x1aa: {  	v63 =	vld [tilespmem:$0x2780]  }
0x1ab: {  	v0 =	vadd.f32 v3, v0;
	_ =	sdelay $0x1  }
0x1ac: {  	v0 =	vadd.f32 v62, v0;
	_ =	sdelay $0x1  }
0x1ad: {  	v0 =	vadd.f32 v63, v0;
	_ =	sdelay $0x1  }
0x1ae: {  	s3 =	simm.s32 $0x1600;
	[tilespmem:$0x2800] =	vst v0  }
0x1af: {  	[hbm4b:s18+s4] =	stream.linear.scatter [tilespmem:s3], [sflag:$0x2], $0x200, $0x38;
	[tilespmem:$0x2B00] =	vst v63  }
0x1b0: {  	s29 =	simm.s32 $0x1A00  }
0x1b1: {  	[hbm4b:s19+s4] =	stream.linear.scatter [tilespmem:s29], [sflag:$0x2], $0x200, $0x38;
	[tilespmem:$0x2B00] =	vst v63  }
0x1b2: {  	s30 =	simm.s32 $0x1E00  }
0x1b3: {  	[hbm4b:s20+s4] =	stream.linear.scatter [tilespmem:s30], [sflag:$0x2], $0x200, $0x38;
	[tilespmem:$0x2B00] =	vst v63  }
0x1b4: {  	s31 =	simm.s32 $0x2800  }
0x1b5: {  	[hbm4b:s21+s4] =	stream.linear.scatter [tilespmem:s31], [sflag:$0x2], $0x80, $0x38;
	[tilespmem:$0x2B00] =	vst v63  }
0x1b6: {  	_ =	swait.ge [sflag:s2], $0x200  }
0x1b7: {  	[sflag:s2] =	ssyncset.done $0x0  }
0x1b8: {  	[sflag:s2] =	ssyncadd.s32 $0xFFFFFE00  }
0x1b9: {  	_ =	swait.ge [sflag:s2], $0x200  }
0x1ba: {  	[sflag:s2] =	ssyncset.done $0x0  }
0x1bb: {  	[sflag:s2] =	ssyncadd.s32 $0xFFFFFE00  }
0x1bc: {  	_ =	swait.ge [sflag:s2], $0x200  }
0x1bd: {  	[sflag:s2] =	ssyncset.done $0x0  }
0x1be: {  	[sflag:s2] =	ssyncadd.s32 $0xFFFFFE00  }
0x1bf: {  	_ =	swait.ge [sflag:s23], $0x200  }
0x1c0: {  	[sflag:s23] =	ssyncset.done $0x0  }
0x1c1: {  	[sflag:s23] =	ssyncadd.s32 $0xFFFFFE00  }
0x1c2: {  	_ =	swait.ge [sflag:s23], $0x200  }
0x1c3: {  	[sflag:s23] =	ssyncset.done $0x0  }
0x1c4: {  	s0 =	sadd.s32 $0x1, s0;
	[sflag:s23] =	ssyncadd.s32 $0xFFFFFE00  }
0x1c5: {  	p1 =	sne.s32 s0, s22;
	_ =	swait.ge [sflag:s23], $0x200  }
.Ltmp2:
0x1c6: {  	[sflag:s23] =	ssyncset.done $0x0;
	(pc) =	sbr.rel @p1 .LBB2_1-.Ltmp2, $4  }
0x1c7: {  	[sflag:s23] =	ssyncadd.s32 $0xFFFFFE00  }
0x1c8: {  	_ =	swait.ge [sflag:s23], $0x80  }
0x1c9: {  	[sflag:s23] =	ssyncset.done $0x0  }
0x1ca: {  	[sflag:s23] =	ssyncadd.s32 $0xFFFFFF80  }
0x1cb: {  	_ =	sfence.sel $0x180000  }
0x1cc: {  	[bflag:$0x0] =	sbarrier.arrive $0xFFFF  }
0x1cd: {  	_ =	strace $0x90000047  }
0x1ce: {  	s0 =	stileid.u32;
	[bflag:$0x2] =	sbarrier.arrive $0xFFFF  }
0x1cf: {  	p0 =	sne.s32 s0, $0x0;
	s0 =	rddreg [dreg:$0x6]  }
0x1d0: {  	s0 =	sadd.s32 @!p0 $0x100000, s0  }
0x1d1: {  	[sflag:s0] =	ssyncadd.tile.s32 @!p0 $0x1;
	_ =	shalt  }
.Lfunc_end2:
_tile_overlayer_lowered:
.L_overlay_start_2:
0x1d2: {  	(tag) =	ssettag $0x2  }
0x1d3: {  	s0 =	rddreg [dreg:$0x0];
	s2 =	stileid.u32  }
0x1d4: {  	s1 =	rddreg [dreg:$0x1];
	p0 =	sne.s32 s2, $0x0  }
0x1d5: {  	s3 =	rddreg [dreg:$0x2];
	[bflag:$0x3] =	sbarrier.arrive $0xFFFF;
	s2 =	simm.s32 @!p0 $0x1C03  }
0x1d6: {  	[timem:s3], [sflag:s2] =	dma.local @!p0 [hbm:s0], s1  }
0x1d7: {  	s0 =	simm.s32 @!p0 $0x3  }
0x1d8: {  	_ =	swait.ge @!p0 [sflag:s0], s1  }
0x1d9: {  	s1 =	ssub.s32 @!p0 $0x0, s1;
	[sflag:s0] =	ssyncset.done @!p0 $0x0  }
0x1da: {  	[sflag:s0] =	ssyncadd.s32 @!p0 s1  }
0x1db: {  	[bflag:$0x3] =	sbarrier.arrive $0xFFFF  }
0x1dc: {  	_ =	shalt  }

</sc_bundles>
